<compile_context>
chip_gen: v7x
topology: tpu7x:2x2x1
jax: 0.10.2.dev20260603
libtpu: 0.0.44.dev20260713+nightly
codegen_flags: <defaults>
</compile_context>

<pallas_src>
import functools

import jax
import jax.numpy as jnp
from jax import lax
from jax.experimental import pallas as pl
from jax.experimental.pallas import tpu as pltpu
from jax.experimental.pallas import tpu_sc as plsc

NUM_EMBEDDINGS = 100000
EMBEDDING_DIM = 128

_INFO = plsc.get_sparse_core_info()
_NC = _INFO.num_cores
_NS = _INFO.num_subcores
_NW = _NC * _NS

_IDX_COLS = 128
_RPC = 1
_D = 6
_G = 3


def _gather_body(weight_hbm, idx_hbm, out_hbm, idx_v, rows_v,
                 gsems, osems, *, rows_per_worker):
    wid = lax.axis_index("s") * _NC + lax.axis_index("c")
    row_base = wid * rows_per_worker
    n_chunks = rows_per_worker // _RPC
    n_outer = (n_chunks + _D - 1) // _D

    pltpu.sync_copy(idx_hbm.at[pl.ds(row_base, rows_per_worker)], idx_v)

    def gather_copies(c, b):
        return [
            pltpu.make_async_copy(
                weight_hbm.at[idx_v.at[c * _RPC + r]],
                rows_v.at[b, pl.ds(r * _IDX_COLS, _IDX_COLS)],
                gsems[b],
            )
            for r in range(_RPC)
        ]

    def out_copy(c, b):
        return pltpu.make_async_copy(
            rows_v.at[b],
            out_hbm.at[pl.ds((row_base + c * _RPC) * _IDX_COLS,
                             _RPC * _IDX_COLS)],
            osems[b],
        )

    for b in range(_G):
        for cp in gather_copies(b, b):
            cp.start()

    def outer(i):
        for b in range(_D):
            c = i * _D + b
            nb = (b + _G) % _D

            @pl.when(c + _G < n_chunks)
            def _():
                @pl.when(c + _G >= _D)
                def _():
                    out_copy(0, nb).wait()
                for cp in gather_copies(c + _G, nb):
                    cp.start()

            @pl.when(c < n_chunks)
            def _():
                for cp in gather_copies(c, b):
                    cp.wait()
                out_copy(c, b).start()

    pl.loop(0, n_outer)(outer)

    for b in range(_D):
        out_copy(0, b).wait()


def kernel(x, weight):
    b, t = x.shape
    n_idx = b * t
    assert n_idx % (_NW * _IDX_COLS * _RPC) == 0
    idx_rows = n_idx // _IDX_COLS
    rows_per_worker = idx_rows // _NW

    xf = x.reshape(idx_rows, _IDX_COLS).astype(jnp.int32)

    mesh = plsc.VectorSubcoreMesh(core_axis_name="c", subcore_axis_name="s")
    body = functools.partial(_gather_body, rows_per_worker=rows_per_worker)
    out = pl.kernel(
        body,
        mesh=mesh,
        out_type=jax.ShapeDtypeStruct((n_idx, EMBEDDING_DIM), jnp.float32),
        scratch_types=[
            pltpu.VMEM((rows_per_worker, _IDX_COLS), jnp.int32),
            pltpu.VMEM((_D, _RPC * _IDX_COLS, EMBEDDING_DIM), jnp.float32),
            [pltpu.SemaphoreType.DMA] * _D,
            [pltpu.SemaphoreType.DMA] * _D,
        ],
    )(weight, xf)
    return out.reshape(b, t, EMBEDDING_DIM)

# --- scband reference (transcript-rebuilt; emitter-appended) ---
"""Pipeline reference for scband-vocab-parallel-embedding-17867063951959 (READ-ONLY COPY).

The authoritative reference and input builder live on the scoring server;
editing this copy changes nothing except your own understanding.
"""

import jax, jax.numpy as jnp
import numpy as np

NUM_EMBEDDINGS = 100000
EMBEDDING_DIM = 128

def setup_inputs(seed: int = 0) -> dict:
    key = jax.random.key(seed)
    k1, k2 = jax.random.split(key)
    x = jax.random.randint(k1, (4096, 200), 0, NUM_EMBEDDINGS, dtype=jnp.int64)
    weight = jax.random.normal(k2, (NUM_EMBEDDINGS, EMBEDDING_DIM), dtype=jnp.float32) * 0.02
    return {"x": x, "weight": weight}

def reference(x, weight):
    # VocabParallelEmbedding with tp_size=1: plain embedding lookup.
    # (mask / vocab-offset / all_reduce branches are no-ops when tp_size == 1)
    y = jnp.take(weight, x, axis=0)
    return y

if __name__ == "__main__":
    import jax
    _d = setup_inputs()
    print(jax.jit(kernel)(*tuple(_d.values())))

</pallas_src>

<mosaic_0001>
#map = affine_map<(d0, d1) -> (0, 0)>
module attributes {stable_mosaic.version = 14 : i64} {
  func.func @_gather_body(%arg0: i32, %arg1: i32, %arg2: memref<100000x128xf32, #tpu.memory_space<hbm>>, %arg3: memref<6400x128xi32, #tpu.memory_space<hbm>>, %arg4: memref<819200x128xf32, #tpu.memory_space<hbm>>, %arg5: memref<200x128xi32, #tpu.memory_space<vmem>>, %arg6: memref<6x128x128xf32, #tpu.memory_space<vmem>>, %arg7: memref<!tpu.dma_semaphore, #tpu.memory_space<semaphore_mem>>, %arg8: memref<!tpu.dma_semaphore, #tpu.memory_space<semaphore_mem>>, %arg9: memref<!tpu.dma_semaphore, #tpu.memory_space<semaphore_mem>>, %arg10: memref<!tpu.dma_semaphore, #tpu.memory_space<semaphore_mem>>, %arg11: memref<!tpu.dma_semaphore, #tpu.memory_space<semaphore_mem>>, %arg12: memref<!tpu.dma_semaphore, #tpu.memory_space<semaphore_mem>>, %arg13: memref<!tpu.dma_semaphore, #tpu.memory_space<semaphore_mem>>, %arg14: memref<!tpu.dma_semaphore, #tpu.memory_space<semaphore_mem>>, %arg15: memref<!tpu.dma_semaphore, #tpu.memory_space<semaphore_mem>>, %arg16: memref<!tpu.dma_semaphore, #tpu.memory_space<semaphore_mem>>, %arg17: memref<!tpu.dma_semaphore, #tpu.memory_space<semaphore_mem>>, %arg18: memref<!tpu.dma_semaphore, #tpu.memory_space<semaphore_mem>>) attributes {dimension_semantics = [#tpu.dimension_semantics<core_parallel>, #tpu.dimension_semantics<subcore_parallel>], iteration_bounds = array<i64: 2, 16>, scalar_prefetch = 0 : i64, scratch_operands = 14 : i64, tpu.core_type = #tpu.core_type<sc_vector_subcore>, window_params = [{transform_indices = #map}, {transform_indices = #map}, {transform_indices = #map}]} {
    %mul3A = arith.constant 2 : i32
    %mul3A_0 = arith.muli %arg1, %mul3A : i32
    %add3A = arith.addi %mul3A_0, %arg0 : i32
    %mul3A_1 = arith.constant 200 : i32
    %mul3A_2 = arith.muli %add3A, %mul3A_1 : i32
    "tpu.region"() ({
      %run_scoped3A = tpu.sem_alloc : memref<!tpu.dma_semaphore, #tpu.memory_space<semaphore_mem>>
      %dma_start3A_143 = arith.constant 0 : i32
      %dma_start3A_144 = tpu.memref_slice %arg3[%mul3A_2, %dma_start3A_143] : memref<6400x128xi32, #tpu.memory_space<hbm>> -> memref<200x128xi32, #tpu.memory_space<hbm>>
      %dma_start3A_145 = arith.constant 0 : i32
      %dma_start3A_146 = tpu.memref_slice %arg3[%mul3A_2, %dma_start3A_145] : memref<6400x128xi32, #tpu.memory_space<hbm>> -> memref<200x128xi32, #tpu.memory_space<hbm>>
      tpu.enqueue_dma source(%dma_start3A_146 : memref<200x128xi32, #tpu.memory_space<hbm>>) target(%arg5 : memref<200x128xi32, #tpu.memory_space<vmem>>) target_semaphore(%run_scoped3A : memref<!tpu.dma_semaphore, #tpu.memory_space<semaphore_mem>>)
      %dma_wait3A_147 = arith.constant 0 : i32
      %dma_wait3A_148 = tpu.memref_slice %arg3[%mul3A_2, %dma_wait3A_147] : memref<6400x128xi32, #tpu.memory_space<hbm>> -> memref<200x128xi32, #tpu.memory_space<hbm>>
      %dma_wait3A_149 = arith.constant 0 : i32
      %dma_wait3A_150 = tpu.memref_slice %arg3[%mul3A_2, %dma_wait3A_149] : memref<6400x128xi32, #tpu.memory_space<hbm>> -> memref<200x128xi32, #tpu.memory_space<hbm>>
      tpu.wait_dma2 semaphore(%run_scoped3A : memref<!tpu.dma_semaphore, #tpu.memory_space<semaphore_mem>>) src(%dma_wait3A_150 : memref<200x128xi32, #tpu.memory_space<hbm>>) dst(%arg5 : memref<200x128xi32, #tpu.memory_space<vmem>>)
      tpu.yield
    }) : () -> ()
    %dma_start3A = arith.constant 0 : i32
    %dma_start3A_3 = arith.constant 0 : i32
    %dma_start3A_4 = arith.constant 0 : i32
    %dma_start3A_5 = arith.constant 0 : i32
    %dma_start3A_6 = tpu.memref_slice %arg6[%dma_start3A_3, %dma_start3A_4, %dma_start3A_5] : memref<6x128x128xf32, #tpu.memory_space<vmem>> -> memref<1x128x128xf32, #tpu.memory_space<vmem>>
    %dma_start3A_7 = tpu.memref_squeeze %dma_start3A_6 : memref<1x128x128xf32, #tpu.memory_space<vmem>> -> memref<128x128xf32, #tpu.memory_space<vmem>>
    %dma_start3A_8 = arith.constant 0 : i32
    %dma_start3A_9 = tpu.memref_slice %arg5[%dma_start3A, %dma_start3A_8] : memref<200x128xi32, #tpu.memory_space<vmem>> -> memref<1x128xi32, #tpu.memory_space<vmem>>
    %dma_start3A_10 = tpu.memref_squeeze %dma_start3A_9 : memref<1x128xi32, #tpu.memory_space<vmem>> -> memref<128xi32, #tpu.memory_space<vmem>>
    %dma_start3A_11 = arith.constant 0 : i32
    %dma_start3A_12 = arith.constant 0 : i32
    %dma_start3A_13 = tpu.memref_slice %arg2[%dma_start3A_11, %dma_start3A_12] : memref<100000x128xf32, #tpu.memory_space<hbm>> -> memref<100000x128xf32, #tpu.memory_space<hbm>>
    tpu.enqueue_indirect_dma source(%dma_start3A_13 : memref<100000x128xf32, #tpu.memory_space<hbm>>) target(%dma_start3A_7 : memref<128x128xf32, #tpu.memory_space<vmem>>) offsets(%dma_start3A_10 : memref<128xi32, #tpu.memory_space<vmem>>) semaphore(%arg7 : memref<!tpu.dma_semaphore, #tpu.memory_space<semaphore_mem>>)
    %dma_start3A_14 = arith.constant 1 : i32
    %dma_start3A_15 = arith.constant 1 : i32
    %dma_start3A_16 = arith.constant 0 : i32
    %dma_start3A_17 = arith.constant 0 : i32
    %dma_start3A_18 = tpu.memref_slice %arg6[%dma_start3A_15, %dma_start3A_16, %dma_start3A_17] : memref<6x128x128xf32, #tpu.memory_space<vmem>> -> memref<1x128x128xf32, #tpu.memory_space<vmem>>
    %dma_start3A_19 = tpu.memref_squeeze %dma_start3A_18 : memref<1x128x128xf32, #tpu.memory_space<vmem>> -> memref<128x128xf32, #tpu.memory_space<vmem>>
    %dma_start3A_20 = arith.constant 0 : i32
    %dma_start3A_21 = tpu.memref_slice %arg5[%dma_start3A_14, %dma_start3A_20] : memref<200x128xi32, #tpu.memory_space<vmem>> -> memref<1x128xi32, #tpu.memory_space<vmem>>
    %dma_start3A_22 = tpu.memref_squeeze %dma_start3A_21 : memref<1x128xi32, #tpu.memory_space<vmem>> -> memref<128xi32, #tpu.memory_space<vmem>>
    %dma_start3A_23 = arith.constant 0 : i32
    %dma_start3A_24 = arith.constant 0 : i32
    %dma_start3A_25 = tpu.memref_slice %arg2[%dma_start3A_23, %dma_start3A_24] : memref<100000x128xf32, #tpu.memory_space<hbm>> -> memref<100000x128xf32, #tpu.memory_space<hbm>>
    tpu.enqueue_indirect_dma source(%dma_start3A_25 : memref<100000x128xf32, #tpu.memory_space<hbm>>) target(%dma_start3A_19 : memref<128x128xf32, #tpu.memory_space<vmem>>) offsets(%dma_start3A_22 : memref<128xi32, #tpu.memory_space<vmem>>) semaphore(%arg8 : memref<!tpu.dma_semaphore, #tpu.memory_space<semaphore_mem>>)
    %dma_start3A_26 = arith.constant 2 : i32
    %dma_start3A_27 = arith.constant 2 : i32
    %dma_start3A_28 = arith.constant 0 : i32
    %dma_start3A_29 = arith.constant 0 : i32
    %dma_start3A_30 = tpu.memref_slice %arg6[%dma_start3A_27, %dma_start3A_28, %dma_start3A_29] : memref<6x128x128xf32, #tpu.memory_space<vmem>> -> memref<1x128x128xf32, #tpu.memory_space<vmem>>
    %dma_start3A_31 = tpu.memref_squeeze %dma_start3A_30 : memref<1x128x128xf32, #tpu.memory_space<vmem>> -> memref<128x128xf32, #tpu.memory_space<vmem>>
    %dma_start3A_32 = arith.constant 0 : i32
    %dma_start3A_33 = tpu.memref_slice %arg5[%dma_start3A_26, %dma_start3A_32] : memref<200x128xi32, #tpu.memory_space<vmem>> -> memref<1x128xi32, #tpu.memory_space<vmem>>
    %dma_start3A_34 = tpu.memref_squeeze %dma_start3A_33 : memref<1x128xi32, #tpu.memory_space<vmem>> -> memref<128xi32, #tpu.memory_space<vmem>>
    %dma_start3A_35 = arith.constant 0 : i32
    %dma_start3A_36 = arith.constant 0 : i32
    %dma_start3A_37 = tpu.memref_slice %arg2[%dma_start3A_35, %dma_start3A_36] : memref<100000x128xf32, #tpu.memory_space<hbm>> -> memref<100000x128xf32, #tpu.memory_space<hbm>>
    tpu.enqueue_indirect_dma source(%dma_start3A_37 : memref<100000x128xf32, #tpu.memory_space<hbm>>) target(%dma_start3A_31 : memref<128x128xf32, #tpu.memory_space<vmem>>) offsets(%dma_start3A_34 : memref<128xi32, #tpu.memory_space<vmem>>) semaphore(%arg9 : memref<!tpu.dma_semaphore, #tpu.memory_space<semaphore_mem>>)
    %scan3A = arith.constant 0 : i32
    %scan3A_38 = arith.constant 34 : i32
    %scan3A_39 = arith.addi %scan3A, %scan3A_38 : i32
    %scan3A_40 = arith.constant 1 : i32
    scf.for %scan3A_143 = %scan3A to %scan3A_39 step %scan3A_40  : i32 {
      %mul3A_144 = arith.constant 1 : i32
      %mul3A_145 = arith.muli %scan3A_143, %mul3A_144 : i32
      %add3A_146 = arith.constant 0 : i32
      %add3A_147 = arith.addi %add3A_146, %mul3A_145 : i32
      %mul3A_148 = arith.constant 6 : i32
      %mul3A_149 = arith.muli %add3A_147, %mul3A_148 : i32
      %add3A_150 = arith.constant 0 : i32
      %add3A_151 = arith.addi %mul3A_149, %add3A_150 : i32
      %add3A_152 = arith.constant 3 : i32
      %add3A_153 = arith.addi %add3A_151, %add3A_152 : i32
      %lt3A = arith.constant 200 : i32
      %lt3A_154 = arith.cmpi slt, %add3A_153, %lt3A : i32
      %convert_element_type3A = arith.extui %lt3A_154 : i1 to i32
      %cond3A = arith.constant 0 : i32
      %cond3A_155 = arith.cmpi ne, %convert_element_type3A, %cond3A : i32
      scf.if %cond3A_155 {
        %add3A_241 = arith.constant 3 : i32
        %add3A_242 = arith.addi %add3A_151, %add3A_241 : i32
        %ge3A = arith.constant 6 : i32
        %ge3A_243 = arith.cmpi sge, %add3A_242, %ge3A : i32
        %convert_element_type3A_244 = arith.extui %ge3A_243 : i1 to i32
        %cond3A_245 = arith.constant 0 : i32
        %cond3A_246 = arith.cmpi ne, %convert_element_type3A_244, %cond3A_245 : i32
        scf.if %cond3A_246 {
          %add3A_264 = arith.constant 0 : i32
          %add3A_265 = arith.addi %mul3A_2, %add3A_264 : i32
          %mul3A_266 = arith.constant 128 : i32
          %mul3A_267 = arith.muli %add3A_265, %mul3A_266 : i32
          %dma_wait3A_268 = arith.constant 3 : i32
          %dma_wait3A_269 = arith.constant 0 : i32
          %dma_wait3A_270 = arith.constant 0 : i32
          %dma_wait3A_271 = tpu.memref_slice %arg6[%dma_wait3A_268, %dma_wait3A_269, %dma_wait3A_270] : memref<6x128x128xf32, #tpu.memory_space<vmem>> -> memref<1x128x128xf32, #tpu.memory_space<vmem>>
          %dma_wait3A_272 = tpu.memref_squeeze %dma_wait3A_271 : memref<1x128x128xf32, #tpu.memory_space<vmem>> -> memref<128x128xf32, #tpu.memory_space<vmem>>
          %dma_wait3A_273 = arith.constant 0 : i32
          %dma_wait3A_274 = tpu.memref_slice %arg4[%mul3A_267, %dma_wait3A_273] : memref<819200x128xf32, #tpu.memory_space<hbm>> -> memref<128x128xf32, #tpu.memory_space<hbm>>
          %dma_wait3A_275 = arith.constant 0 : i32
          %dma_wait3A_276 = tpu.memref_slice %arg4[%mul3A_267, %dma_wait3A_275] : memref<819200x128xf32, #tpu.memory_space<hbm>> -> memref<128x128xf32, #tpu.memory_space<hbm>>
          %dma_wait3A_277 = arith.constant 0 : i32
          %dma_wait3A_278 = arith.constant 0 : i32
          %dma_wait3A_279 = tpu.memref_slice %arg6[%dma_wait3A_268, %dma_wait3A_277, %dma_wait3A_278] : memref<6x128x128xf32, #tpu.memory_space<vmem>> -> memref<1x128x128xf32, #tpu.memory_space<vmem>>
          %dma_wait3A_280 = tpu.memref_squeeze %dma_wait3A_279 : memref<1x128x128xf32, #tpu.memory_space<vmem>> -> memref<128x128xf32, #tpu.memory_space<vmem>>
          tpu.wait_dma2 semaphore(%arg16 : memref<!tpu.dma_semaphore, #tpu.memory_space<semaphore_mem>>) src(%dma_wait3A_280 : memref<128x128xf32, #tpu.memory_space<vmem>>) dst(%dma_wait3A_276 : memref<128x128xf32, #tpu.memory_space<hbm>>)
        } else {
        }
        %add3A_247 = arith.constant 3 : i32
        %add3A_248 = arith.addi %add3A_151, %add3A_247 : i32
        %mul3A_249 = arith.constant 1 : i32
        %mul3A_250 = arith.muli %add3A_248, %mul3A_249 : i32
        %add3A_251 = arith.constant 0 : i32
        %add3A_252 = arith.addi %mul3A_250, %add3A_251 : i32
        %dma_start3A_253 = arith.constant 3 : i32
        %dma_start3A_254 = arith.constant 0 : i32
        %dma_start3A_255 = arith.constant 0 : i32
        %dma_start3A_256 = tpu.memref_slice %arg6[%dma_start3A_253, %dma_start3A_254, %dma_start3A_255] : memref<6x128x128xf32, #tpu.memory_space<vmem>> -> memref<1x128x128xf32, #tpu.memory_space<vmem>>
        %dma_start3A_257 = tpu.memref_squeeze %dma_start3A_256 : memref<1x128x128xf32, #tpu.memory_space<vmem>> -> memref<128x128xf32, #tpu.memory_space<vmem>>
        %dma_start3A_258 = arith.constant 0 : i32
        %dma_start3A_259 = tpu.memref_slice %arg5[%add3A_252, %dma_start3A_258] : memref<200x128xi32, #tpu.memory_space<vmem>> -> memref<1x128xi32, #tpu.memory_space<vmem>>
        %dma_start3A_260 = tpu.memref_squeeze %dma_start3A_259 : memref<1x128xi32, #tpu.memory_space<vmem>> -> memref<128xi32, #tpu.memory_space<vmem>>
        %dma_start3A_261 = arith.constant 0 : i32
        %dma_start3A_262 = arith.constant 0 : i32
        %dma_start3A_263 = tpu.memref_slice %arg2[%dma_start3A_261, %dma_start3A_262] : memref<100000x128xf32, #tpu.memory_space<hbm>> -> memref<100000x128xf32, #tpu.memory_space<hbm>>
        tpu.enqueue_indirect_dma source(%dma_start3A_263 : memref<100000x128xf32, #tpu.memory_space<hbm>>) target(%dma_start3A_257 : memref<128x128xf32, #tpu.memory_space<vmem>>) offsets(%dma_start3A_260 : memref<128xi32, #tpu.memory_space<vmem>>) semaphore(%arg10 : memref<!tpu.dma_semaphore, #tpu.memory_space<semaphore_mem>>)
      } else {
      }
      %lt3A_156 = arith.constant 200 : i32
      %lt3A_157 = arith.cmpi slt, %add3A_151, %lt3A_156 : i32
      %convert_element_type3A_158 = arith.extui %lt3A_157 : i1 to i32
      %cond3A_159 = arith.constant 0 : i32
      %cond3A_160 = arith.cmpi ne, %convert_element_type3A_158, %cond3A_159 : i32
      scf.if %cond3A_160 {
        %mul3A_241 = arith.constant 1 : i32
        %mul3A_242 = arith.muli %add3A_151, %mul3A_241 : i32
        %add3A_243 = arith.constant 0 : i32
        %add3A_244 = arith.addi %mul3A_242, %add3A_243 : i32
        %dma_wait3A_245 = arith.constant 0 : i32
        %dma_wait3A_246 = arith.constant 0 : i32
        %dma_wait3A_247 = arith.constant 0 : i32
        %dma_wait3A_248 = tpu.memref_slice %arg6[%dma_wait3A_245, %dma_wait3A_246, %dma_wait3A_247] : memref<6x128x128xf32, #tpu.memory_space<vmem>> -> memref<1x128x128xf32, #tpu.memory_space<vmem>>
        %dma_wait3A_249 = tpu.memref_squeeze %dma_wait3A_248 : memref<1x128x128xf32, #tpu.memory_space<vmem>> -> memref<128x128xf32, #tpu.memory_space<vmem>>
        %dma_wait3A_250 = arith.constant 0 : i32
        %dma_wait3A_251 = tpu.memref_slice %arg5[%add3A_244, %dma_wait3A_250] : memref<200x128xi32, #tpu.memory_space<vmem>> -> memref<1x128xi32, #tpu.memory_space<vmem>>
        %dma_wait3A_252 = tpu.memref_squeeze %dma_wait3A_251 : memref<1x128xi32, #tpu.memory_space<vmem>> -> memref<128xi32, #tpu.memory_space<vmem>>
        %dma_wait3A_253 = arith.constant 0 : i32
        %dma_wait3A_254 = arith.constant 0 : i32
        %dma_wait3A_255 = tpu.memref_slice %arg2[%dma_wait3A_253, %dma_wait3A_254] : memref<100000x128xf32, #tpu.memory_space<hbm>> -> memref<100000x128xf32, #tpu.memory_space<hbm>>
        tpu.wait_indirect_dma semaphore(%arg7 : memref<!tpu.dma_semaphore, #tpu.memory_space<semaphore_mem>>) src(%dma_wait3A_255 : memref<100000x128xf32, #tpu.memory_space<hbm>>) dst(%dma_wait3A_249 : memref<128x128xf32, #tpu.memory_space<vmem>>)
        %mul3A_256 = arith.constant 1 : i32
        %mul3A_257 = arith.muli %add3A_151, %mul3A_256 : i32
        %add3A_258 = arith.addi %mul3A_2, %mul3A_257 : i32
        %mul3A_259 = arith.constant 128 : i32
        %mul3A_260 = arith.muli %add3A_258, %mul3A_259 : i32
        %dma_start3A_261 = arith.constant 0 : i32
        %dma_start3A_262 = arith.constant 0 : i32
        %dma_start3A_263 = arith.constant 0 : i32
        %dma_start3A_264 = tpu.memref_slice %arg6[%dma_start3A_261, %dma_start3A_262, %dma_start3A_263] : memref<6x128x128xf32, #tpu.memory_space<vmem>> -> memref<1x128x128xf32, #tpu.memory_space<vmem>>
        %dma_start3A_265 = tpu.memref_squeeze %dma_start3A_264 : memref<1x128x128xf32, #tpu.memory_space<vmem>> -> memref<128x128xf32, #tpu.memory_space<vmem>>
        %dma_start3A_266 = arith.constant 0 : i32
        %dma_start3A_267 = tpu.memref_slice %arg4[%mul3A_260, %dma_start3A_266] : memref<819200x128xf32, #tpu.memory_space<hbm>> -> memref<128x128xf32, #tpu.memory_space<hbm>>
        %dma_start3A_268 = arith.constant 0 : i32
        %dma_start3A_269 = tpu.memref_slice %arg4[%mul3A_260, %dma_start3A_268] : memref<819200x128xf32, #tpu.memory_space<hbm>> -> memref<128x128xf32, #tpu.memory_space<hbm>>
        %dma_start3A_270 = arith.constant 0 : i32
        %dma_start3A_271 = arith.constant 0 : i32
        %dma_start3A_272 = tpu.memref_slice %arg6[%dma_start3A_261, %dma_start3A_270, %dma_start3A_271] : memref<6x128x128xf32, #tpu.memory_space<vmem>> -> memref<1x128x128xf32, #tpu.memory_space<vmem>>
        %dma_start3A_273 = tpu.memref_squeeze %dma_start3A_272 : memref<1x128x128xf32, #tpu.memory_space<vmem>> -> memref<128x128xf32, #tpu.memory_space<vmem>>
        tpu.enqueue_dma source(%dma_start3A_273 : memref<128x128xf32, #tpu.memory_space<vmem>>) target(%dma_start3A_269 : memref<128x128xf32, #tpu.memory_space<hbm>>) target_semaphore(%arg13 : memref<!tpu.dma_semaphore, #tpu.memory_space<semaphore_mem>>)
      } else {
      }
      %mul3A_161 = arith.constant 6 : i32
      %mul3A_162 = arith.muli %add3A_147, %mul3A_161 : i32
      %add3A_163 = arith.constant 1 : i32
      %add3A_164 = arith.addi %mul3A_162, %add3A_163 : i32
      %add3A_165 = arith.constant 3 : i32
      %add3A_166 = arith.addi %add3A_164, %add3A_165 : i32
      %lt3A_167 = arith.constant 200 : i32
      %lt3A_168 = arith.cmpi slt, %add3A_166, %lt3A_167 : i32
      %convert_element_type3A_169 = arith.extui %lt3A_168 : i1 to i32
      %cond3A_170 = arith.constant 0 : i32
      %cond3A_171 = arith.cmpi ne, %convert_element_type3A_169, %cond3A_170 : i32
      scf.if %cond3A_171 {
        %add3A_241 = arith.constant 3 : i32
        %add3A_242 = arith.addi %add3A_164, %add3A_241 : i32
        %ge3A = arith.constant 6 : i32
        %ge3A_243 = arith.cmpi sge, %add3A_242, %ge3A : i32
        %convert_element_type3A_244 = arith.extui %ge3A_243 : i1 to i32
        %cond3A_245 = arith.constant 0 : i32
        %cond3A_246 = arith.cmpi ne, %convert_element_type3A_244, %cond3A_245 : i32
        scf.if %cond3A_246 {
          %add3A_264 = arith.constant 0 : i32
          %add3A_265 = arith.addi %mul3A_2, %add3A_264 : i32
          %mul3A_266 = arith.constant 128 : i32
          %mul3A_267 = arith.muli %add3A_265, %mul3A_266 : i32
          %dma_wait3A_268 = arith.constant 4 : i32
          %dma_wait3A_269 = arith.constant 0 : i32
          %dma_wait3A_270 = arith.constant 0 : i32
          %dma_wait3A_271 = tpu.memref_slice %arg6[%dma_wait3A_268, %dma_wait3A_269, %dma_wait3A_270] : memref<6x128x128xf32, #tpu.memory_space<vmem>> -> memref<1x128x128xf32, #tpu.memory_space<vmem>>
          %dma_wait3A_272 = tpu.memref_squeeze %dma_wait3A_271 : memref<1x128x128xf32, #tpu.memory_space<vmem>> -> memref<128x128xf32, #tpu.memory_space<vmem>>
          %dma_wait3A_273 = arith.constant 0 : i32
          %dma_wait3A_274 = tpu.memref_slice %arg4[%mul3A_267, %dma_wait3A_273] : memref<819200x128xf32, #tpu.memory_space<hbm>> -> memref<128x128xf32, #tpu.memory_space<hbm>>
          %dma_wait3A_275 = arith.constant 0 : i32
          %dma_wait3A_276 = tpu.memref_slice %arg4[%mul3A_267, %dma_wait3A_275] : memref<819200x128xf32, #tpu.memory_space<hbm>> -> memref<128x128xf32, #tpu.memory_space<hbm>>
          %dma_wait3A_277 = arith.constant 0 : i32
          %dma_wait3A_278 = arith.constant 0 : i32
          %dma_wait3A_279 = tpu.memref_slice %arg6[%dma_wait3A_268, %dma_wait3A_277, %dma_wait3A_278] : memref<6x128x128xf32, #tpu.memory_space<vmem>> -> memref<1x128x128xf32, #tpu.memory_space<vmem>>
          %dma_wait3A_280 = tpu.memref_squeeze %dma_wait3A_279 : memref<1x128x128xf32, #tpu.memory_space<vmem>> -> memref<128x128xf32, #tpu.memory_space<vmem>>
          tpu.wait_dma2 semaphore(%arg17 : memref<!tpu.dma_semaphore, #tpu.memory_space<semaphore_mem>>) src(%dma_wait3A_280 : memref<128x128xf32, #tpu.memory_space<vmem>>) dst(%dma_wait3A_276 : memref<128x128xf32, #tpu.memory_space<hbm>>)
        } else {
        }
        %add3A_247 = arith.constant 3 : i32
        %add3A_248 = arith.addi %add3A_164, %add3A_247 : i32
        %mul3A_249 = arith.constant 1 : i32
        %mul3A_250 = arith.muli %add3A_248, %mul3A_249 : i32
        %add3A_251 = arith.constant 0 : i32
        %add3A_252 = arith.addi %mul3A_250, %add3A_251 : i32
        %dma_start3A_253 = arith.constant 4 : i32
        %dma_start3A_254 = arith.constant 0 : i32
        %dma_start3A_255 = arith.constant 0 : i32
        %dma_start3A_256 = tpu.memref_slice %arg6[%dma_start3A_253, %dma_start3A_254, %dma_start3A_255] : memref<6x128x128xf32, #tpu.memory_space<vmem>> -> memref<1x128x128xf32, #tpu.memory_space<vmem>>
        %dma_start3A_257 = tpu.memref_squeeze %dma_start3A_256 : memref<1x128x128xf32, #tpu.memory_space<vmem>> -> memref<128x128xf32, #tpu.memory_space<vmem>>
        %dma_start3A_258 = arith.constant 0 : i32
        %dma_start3A_259 = tpu.memref_slice %arg5[%add3A_252, %dma_start3A_258] : memref<200x128xi32, #tpu.memory_space<vmem>> -> memref<1x128xi32, #tpu.memory_space<vmem>>
        %dma_start3A_260 = tpu.memref_squeeze %dma_start3A_259 : memref<1x128xi32, #tpu.memory_space<vmem>> -> memref<128xi32, #tpu.memory_space<vmem>>
        %dma_start3A_261 = arith.constant 0 : i32
        %dma_start3A_262 = arith.constant 0 : i32
        %dma_start3A_263 = tpu.memref_slice %arg2[%dma_start3A_261, %dma_start3A_262] : memref<100000x128xf32, #tpu.memory_space<hbm>> -> memref<100000x128xf32, #tpu.memory_space<hbm>>
        tpu.enqueue_indirect_dma source(%dma_start3A_263 : memref<100000x128xf32, #tpu.memory_space<hbm>>) target(%dma_start3A_257 : memref<128x128xf32, #tpu.memory_space<vmem>>) offsets(%dma_start3A_260 : memref<128xi32, #tpu.memory_space<vmem>>) semaphore(%arg11 : memref<!tpu.dma_semaphore, #tpu.memory_space<semaphore_mem>>)
      } else {
      }
      %lt3A_172 = arith.constant 200 : i32
      %lt3A_173 = arith.cmpi slt, %add3A_164, %lt3A_172 : i32
      %convert_element_type3A_174 = arith.extui %lt3A_173 : i1 to i32
      %cond3A_175 = arith.constant 0 : i32
      %cond3A_176 = arith.cmpi ne, %convert_element_type3A_174, %cond3A_175 : i32
      scf.if %cond3A_176 {
        %mul3A_241 = arith.constant 1 : i32
        %mul3A_242 = arith.muli %add3A_164, %mul3A_241 : i32
        %add3A_243 = arith.constant 0 : i32
        %add3A_244 = arith.addi %mul3A_242, %add3A_243 : i32
        %dma_wait3A_245 = arith.constant 1 : i32
        %dma_wait3A_246 = arith.constant 0 : i32
        %dma_wait3A_247 = arith.constant 0 : i32
        %dma_wait3A_248 = tpu.memref_slice %arg6[%dma_wait3A_245, %dma_wait3A_246, %dma_wait3A_247] : memref<6x128x128xf32, #tpu.memory_space<vmem>> -> memref<1x128x128xf32, #tpu.memory_space<vmem>>
        %dma_wait3A_249 = tpu.memref_squeeze %dma_wait3A_248 : memref<1x128x128xf32, #tpu.memory_space<vmem>> -> memref<128x128xf32, #tpu.memory_space<vmem>>
        %dma_wait3A_250 = arith.constant 0 : i32
        %dma_wait3A_251 = tpu.memref_slice %arg5[%add3A_244, %dma_wait3A_250] : memref<200x128xi32, #tpu.memory_space<vmem>> -> memref<1x128xi32, #tpu.memory_space<vmem>>
        %dma_wait3A_252 = tpu.memref_squeeze %dma_wait3A_251 : memref<1x128xi32, #tpu.memory_space<vmem>> -> memref<128xi32, #tpu.memory_space<vmem>>
        %dma_wait3A_253 = arith.constant 0 : i32
        %dma_wait3A_254 = arith.constant 0 : i32
        %dma_wait3A_255 = tpu.memref_slice %arg2[%dma_wait3A_253, %dma_wait3A_254] : memref<100000x128xf32, #tpu.memory_space<hbm>> -> memref<100000x128xf32, #tpu.memory_space<hbm>>
        tpu.wait_indirect_dma semaphore(%arg8 : memref<!tpu.dma_semaphore, #tpu.memory_space<semaphore_mem>>) src(%dma_wait3A_255 : memref<100000x128xf32, #tpu.memory_space<hbm>>) dst(%dma_wait3A_249 : memref<128x128xf32, #tpu.memory_space<vmem>>)
        %mul3A_256 = arith.constant 1 : i32
        %mul3A_257 = arith.muli %add3A_164, %mul3A_256 : i32
        %add3A_258 = arith.addi %mul3A_2, %mul3A_257 : i32
        %mul3A_259 = arith.constant 128 : i32
        %mul3A_260 = arith.muli %add3A_258, %mul3A_259 : i32
        %dma_start3A_261 = arith.constant 1 : i32
        %dma_start3A_262 = arith.constant 0 : i32
        %dma_start3A_263 = arith.constant 0 : i32
        %dma_start3A_264 = tpu.memref_slice %arg6[%dma_start3A_261, %dma_start3A_262, %dma_start3A_263] : memref<6x128x128xf32, #tpu.memory_space<vmem>> -> memref<1x128x128xf32, #tpu.memory_space<vmem>>
        %dma_start3A_265 = tpu.memref_squeeze %dma_start3A_264 : memref<1x128x128xf32, #tpu.memory_space<vmem>> -> memref<128x128xf32, #tpu.memory_space<vmem>>
        %dma_start3A_266 = arith.constant 0 : i32
        %dma_start3A_267 = tpu.memref_slice %arg4[%mul3A_260, %dma_start3A_266] : memref<819200x128xf32, #tpu.memory_space<hbm>> -> memref<128x128xf32, #tpu.memory_space<hbm>>
        %dma_start3A_268 = arith.constant 0 : i32
        %dma_start3A_269 = tpu.memref_slice %arg4[%mul3A_260, %dma_start3A_268] : memref<819200x128xf32, #tpu.memory_space<hbm>> -> memref<128x128xf32, #tpu.memory_space<hbm>>
        %dma_start3A_270 = arith.constant 0 : i32
        %dma_start3A_271 = arith.constant 0 : i32
        %dma_start3A_272 = tpu.memref_slice %arg6[%dma_start3A_261, %dma_start3A_270, %dma_start3A_271] : memref<6x128x128xf32, #tpu.memory_space<vmem>> -> memref<1x128x128xf32, #tpu.memory_space<vmem>>
        %dma_start3A_273 = tpu.memref_squeeze %dma_start3A_272 : memref<1x128x128xf32, #tpu.memory_space<vmem>> -> memref<128x128xf32, #tpu.memory_space<vmem>>
        tpu.enqueue_dma source(%dma_start3A_273 : memref<128x128xf32, #tpu.memory_space<vmem>>) target(%dma_start3A_269 : memref<128x128xf32, #tpu.memory_space<hbm>>) target_semaphore(%arg14 : memref<!tpu.dma_semaphore, #tpu.memory_space<semaphore_mem>>)
      } else {
      }
      %mul3A_177 = arith.constant 6 : i32
      %mul3A_178 = arith.muli %add3A_147, %mul3A_177 : i32
      %add3A_179 = arith.constant 2 : i32
      %add3A_180 = arith.addi %mul3A_178, %add3A_179 : i32
      %add3A_181 = arith.constant 3 : i32
      %add3A_182 = arith.addi %add3A_180, %add3A_181 : i32
      %lt3A_183 = arith.constant 200 : i32
      %lt3A_184 = arith.cmpi slt, %add3A_182, %lt3A_183 : i32
      %convert_element_type3A_185 = arith.extui %lt3A_184 : i1 to i32
      %cond3A_186 = arith.constant 0 : i32
      %cond3A_187 = arith.cmpi ne, %convert_element_type3A_185, %cond3A_186 : i32
      scf.if %cond3A_187 {
        %add3A_241 = arith.constant 3 : i32
        %add3A_242 = arith.addi %add3A_180, %add3A_241 : i32
        %ge3A = arith.constant 6 : i32
        %ge3A_243 = arith.cmpi sge, %add3A_242, %ge3A : i32
        %convert_element_type3A_244 = arith.extui %ge3A_243 : i1 to i32
        %cond3A_245 = arith.constant 0 : i32
        %cond3A_246 = arith.cmpi ne, %convert_element_type3A_244, %cond3A_245 : i32
        scf.if %cond3A_246 {
          %add3A_264 = arith.constant 0 : i32
          %add3A_265 = arith.addi %mul3A_2, %add3A_264 : i32
          %mul3A_266 = arith.constant 128 : i32
          %mul3A_267 = arith.muli %add3A_265, %mul3A_266 : i32
          %dma_wait3A_268 = arith.constant 5 : i32
          %dma_wait3A_269 = arith.constant 0 : i32
          %dma_wait3A_270 = arith.constant 0 : i32
          %dma_wait3A_271 = tpu.memref_slice %arg6[%dma_wait3A_268, %dma_wait3A_269, %dma_wait3A_270] : memref<6x128x128xf32, #tpu.memory_space<vmem>> -> memref<1x128x128xf32, #tpu.memory_space<vmem>>
          %dma_wait3A_272 = tpu.memref_squeeze %dma_wait3A_271 : memref<1x128x128xf32, #tpu.memory_space<vmem>> -> memref<128x128xf32, #tpu.memory_space<vmem>>
          %dma_wait3A_273 = arith.constant 0 : i32
          %dma_wait3A_274 = tpu.memref_slice %arg4[%mul3A_267, %dma_wait3A_273] : memref<819200x128xf32, #tpu.memory_space<hbm>> -> memref<128x128xf32, #tpu.memory_space<hbm>>
          %dma_wait3A_275 = arith.constant 0 : i32
          %dma_wait3A_276 = tpu.memref_slice %arg4[%mul3A_267, %dma_wait3A_275] : memref<819200x128xf32, #tpu.memory_space<hbm>> -> memref<128x128xf32, #tpu.memory_space<hbm>>
          %dma_wait3A_277 = arith.constant 0 : i32
          %dma_wait3A_278 = arith.constant 0 : i32
          %dma_wait3A_279 = tpu.memref_slice %arg6[%dma_wait3A_268, %dma_wait3A_277, %dma_wait3A_278] : memref<6x128x128xf32, #tpu.memory_space<vmem>> -> memref<1x128x128xf32, #tpu.memory_space<vmem>>
          %dma_wait3A_280 = tpu.memref_squeeze %dma_wait3A_279 : memref<1x128x128xf32, #tpu.memory_space<vmem>> -> memref<128x128xf32, #tpu.memory_space<vmem>>
          tpu.wait_dma2 semaphore(%arg18 : memref<!tpu.dma_semaphore, #tpu.memory_space<semaphore_mem>>) src(%dma_wait3A_280 : memref<128x128xf32, #tpu.memory_space<vmem>>) dst(%dma_wait3A_276 : memref<128x128xf32, #tpu.memory_space<hbm>>)
        } else {
        }
        %add3A_247 = arith.constant 3 : i32
        %add3A_248 = arith.addi %add3A_180, %add3A_247 : i32
        %mul3A_249 = arith.constant 1 : i32
        %mul3A_250 = arith.muli %add3A_248, %mul3A_249 : i32
        %add3A_251 = arith.constant 0 : i32
        %add3A_252 = arith.addi %mul3A_250, %add3A_251 : i32
        %dma_start3A_253 = arith.constant 5 : i32
        %dma_start3A_254 = arith.constant 0 : i32
        %dma_start3A_255 = arith.constant 0 : i32
        %dma_start3A_256 = tpu.memref_slice %arg6[%dma_start3A_253, %dma_start3A_254, %dma_start3A_255] : memref<6x128x128xf32, #tpu.memory_space<vmem>> -> memref<1x128x128xf32, #tpu.memory_space<vmem>>
        %dma_start3A_257 = tpu.memref_squeeze %dma_start3A_256 : memref<1x128x128xf32, #tpu.memory_space<vmem>> -> memref<128x128xf32, #tpu.memory_space<vmem>>
        %dma_start3A_258 = arith.constant 0 : i32
        %dma_start3A_259 = tpu.memref_slice %arg5[%add3A_252, %dma_start3A_258] : memref<200x128xi32, #tpu.memory_space<vmem>> -> memref<1x128xi32, #tpu.memory_space<vmem>>
        %dma_start3A_260 = tpu.memref_squeeze %dma_start3A_259 : memref<1x128xi32, #tpu.memory_space<vmem>> -> memref<128xi32, #tpu.memory_space<vmem>>
        %dma_start3A_261 = arith.constant 0 : i32
        %dma_start3A_262 = arith.constant 0 : i32
        %dma_start3A_263 = tpu.memref_slice %arg2[%dma_start3A_261, %dma_start3A_262] : memref<100000x128xf32, #tpu.memory_space<hbm>> -> memref<100000x128xf32, #tpu.memory_space<hbm>>
        tpu.enqueue_indirect_dma source(%dma_start3A_263 : memref<100000x128xf32, #tpu.memory_space<hbm>>) target(%dma_start3A_257 : memref<128x128xf32, #tpu.memory_space<vmem>>) offsets(%dma_start3A_260 : memref<128xi32, #tpu.memory_space<vmem>>) semaphore(%arg12 : memref<!tpu.dma_semaphore, #tpu.memory_space<semaphore_mem>>)
      } else {
      }
      %lt3A_188 = arith.constant 200 : i32
      %lt3A_189 = arith.cmpi slt, %add3A_180, %lt3A_188 : i32
      %convert_element_type3A_190 = arith.extui %lt3A_189 : i1 to i32
      %cond3A_191 = arith.constant 0 : i32
      %cond3A_192 = arith.cmpi ne, %convert_element_type3A_190, %cond3A_191 : i32
      scf.if %cond3A_192 {
        %mul3A_241 = arith.constant 1 : i32
        %mul3A_242 = arith.muli %add3A_180, %mul3A_241 : i32
        %add3A_243 = arith.constant 0 : i32
        %add3A_244 = arith.addi %mul3A_242, %add3A_243 : i32
        %dma_wait3A_245 = arith.constant 2 : i32
        %dma_wait3A_246 = arith.constant 0 : i32
        %dma_wait3A_247 = arith.constant 0 : i32
        %dma_wait3A_248 = tpu.memref_slice %arg6[%dma_wait3A_245, %dma_wait3A_246, %dma_wait3A_247] : memref<6x128x128xf32, #tpu.memory_space<vmem>> -> memref<1x128x128xf32, #tpu.memory_space<vmem>>
        %dma_wait3A_249 = tpu.memref_squeeze %dma_wait3A_248 : memref<1x128x128xf32, #tpu.memory_space<vmem>> -> memref<128x128xf32, #tpu.memory_space<vmem>>
        %dma_wait3A_250 = arith.constant 0 : i32
        %dma_wait3A_251 = tpu.memref_slice %arg5[%add3A_244, %dma_wait3A_250] : memref<200x128xi32, #tpu.memory_space<vmem>> -> memref<1x128xi32, #tpu.memory_space<vmem>>
        %dma_wait3A_252 = tpu.memref_squeeze %dma_wait3A_251 : memref<1x128xi32, #tpu.memory_space<vmem>> -> memref<128xi32, #tpu.memory_space<vmem>>
        %dma_wait3A_253 = arith.constant 0 : i32
        %dma_wait3A_254 = arith.constant 0 : i32
        %dma_wait3A_255 = tpu.memref_slice %arg2[%dma_wait3A_253, %dma_wait3A_254] : memref<100000x128xf32, #tpu.memory_space<hbm>> -> memref<100000x128xf32, #tpu.memory_space<hbm>>
        tpu.wait_indirect_dma semaphore(%arg9 : memref<!tpu.dma_semaphore, #tpu.memory_space<semaphore_mem>>) src(%dma_wait3A_255 : memref<100000x128xf32, #tpu.memory_space<hbm>>) dst(%dma_wait3A_249 : memref<128x128xf32, #tpu.memory_space<vmem>>)
        %mul3A_256 = arith.constant 1 : i32
        %mul3A_257 = arith.muli %add3A_180, %mul3A_256 : i32
        %add3A_258 = arith.addi %mul3A_2, %mul3A_257 : i32
        %mul3A_259 = arith.constant 128 : i32
        %mul3A_260 = arith.muli %add3A_258, %mul3A_259 : i32
        %dma_start3A_261 = arith.constant 2 : i32
        %dma_start3A_262 = arith.constant 0 : i32
        %dma_start3A_263 = arith.constant 0 : i32
        %dma_start3A_264 = tpu.memref_slice %arg6[%dma_start3A_261, %dma_start3A_262, %dma_start3A_263] : memref<6x128x128xf32, #tpu.memory_space<vmem>> -> memref<1x128x128xf32, #tpu.memory_space<vmem>>
        %dma_start3A_265 = tpu.memref_squeeze %dma_start3A_264 : memref<1x128x128xf32, #tpu.memory_space<vmem>> -> memref<128x128xf32, #tpu.memory_space<vmem>>
        %dma_start3A_266 = arith.constant 0 : i32
        %dma_start3A_267 = tpu.memref_slice %arg4[%mul3A_260, %dma_start3A_266] : memref<819200x128xf32, #tpu.memory_space<hbm>> -> memref<128x128xf32, #tpu.memory_space<hbm>>
        %dma_start3A_268 = arith.constant 0 : i32
        %dma_start3A_269 = tpu.memref_slice %arg4[%mul3A_260, %dma_start3A_268] : memref<819200x128xf32, #tpu.memory_space<hbm>> -> memref<128x128xf32, #tpu.memory_space<hbm>>
        %dma_start3A_270 = arith.constant 0 : i32
        %dma_start3A_271 = arith.constant 0 : i32
        %dma_start3A_272 = tpu.memref_slice %arg6[%dma_start3A_261, %dma_start3A_270, %dma_start3A_271] : memref<6x128x128xf32, #tpu.memory_space<vmem>> -> memref<1x128x128xf32, #tpu.memory_space<vmem>>
        %dma_start3A_273 = tpu.memref_squeeze %dma_start3A_272 : memref<1x128x128xf32, #tpu.memory_space<vmem>> -> memref<128x128xf32, #tpu.memory_space<vmem>>
        tpu.enqueue_dma source(%dma_start3A_273 : memref<128x128xf32, #tpu.memory_space<vmem>>) target(%dma_start3A_269 : memref<128x128xf32, #tpu.memory_space<hbm>>) target_semaphore(%arg15 : memref<!tpu.dma_semaphore, #tpu.memory_space<semaphore_mem>>)
      } else {
      }
      %mul3A_193 = arith.constant 6 : i32
      %mul3A_194 = arith.muli %add3A_147, %mul3A_193 : i32
      %add3A_195 = arith.constant 3 : i32
      %add3A_196 = arith.addi %mul3A_194, %add3A_195 : i32
      %add3A_197 = arith.constant 3 : i32
      %add3A_198 = arith.addi %add3A_196, %add3A_197 : i32
      %lt3A_199 = arith.constant 200 : i32
      %lt3A_200 = arith.cmpi slt, %add3A_198, %lt3A_199 : i32
      %convert_element_type3A_201 = arith.extui %lt3A_200 : i1 to i32
      %cond3A_202 = arith.constant 0 : i32
      %cond3A_203 = arith.cmpi ne, %convert_element_type3A_201, %cond3A_202 : i32
      scf.if %cond3A_203 {
        %add3A_241 = arith.constant 3 : i32
        %add3A_242 = arith.addi %add3A_196, %add3A_241 : i32
        %ge3A = arith.constant 6 : i32
        %ge3A_243 = arith.cmpi sge, %add3A_242, %ge3A : i32
        %convert_element_type3A_244 = arith.extui %ge3A_243 : i1 to i32
        %cond3A_245 = arith.constant 0 : i32
        %cond3A_246 = arith.cmpi ne, %convert_element_type3A_244, %cond3A_245 : i32
        scf.if %cond3A_246 {
          %add3A_264 = arith.constant 0 : i32
          %add3A_265 = arith.addi %mul3A_2, %add3A_264 : i32
          %mul3A_266 = arith.constant 128 : i32
          %mul3A_267 = arith.muli %add3A_265, %mul3A_266 : i32
          %dma_wait3A_268 = arith.constant 0 : i32
          %dma_wait3A_269 = arith.constant 0 : i32
          %dma_wait3A_270 = arith.constant 0 : i32
          %dma_wait3A_271 = tpu.memref_slice %arg6[%dma_wait3A_268, %dma_wait3A_269, %dma_wait3A_270] : memref<6x128x128xf32, #tpu.memory_space<vmem>> -> memref<1x128x128xf32, #tpu.memory_space<vmem>>
          %dma_wait3A_272 = tpu.memref_squeeze %dma_wait3A_271 : memref<1x128x128xf32, #tpu.memory_space<vmem>> -> memref<128x128xf32, #tpu.memory_space<vmem>>
          %dma_wait3A_273 = arith.constant 0 : i32
          %dma_wait3A_274 = tpu.memref_slice %arg4[%mul3A_267, %dma_wait3A_273] : memref<819200x128xf32, #tpu.memory_space<hbm>> -> memref<128x128xf32, #tpu.memory_space<hbm>>
          %dma_wait3A_275 = arith.constant 0 : i32
          %dma_wait3A_276 = tpu.memref_slice %arg4[%mul3A_267, %dma_wait3A_275] : memref<819200x128xf32, #tpu.memory_space<hbm>> -> memref<128x128xf32, #tpu.memory_space<hbm>>
          %dma_wait3A_277 = arith.constant 0 : i32
          %dma_wait3A_278 = arith.constant 0 : i32
          %dma_wait3A_279 = tpu.memref_slice %arg6[%dma_wait3A_268, %dma_wait3A_277, %dma_wait3A_278] : memref<6x128x128xf32, #tpu.memory_space<vmem>> -> memref<1x128x128xf32, #tpu.memory_space<vmem>>
          %dma_wait3A_280 = tpu.memref_squeeze %dma_wait3A_279 : memref<1x128x128xf32, #tpu.memory_space<vmem>> -> memref<128x128xf32, #tpu.memory_space<vmem>>
          tpu.wait_dma2 semaphore(%arg13 : memref<!tpu.dma_semaphore, #tpu.memory_space<semaphore_mem>>) src(%dma_wait3A_280 : memref<128x128xf32, #tpu.memory_space<vmem>>) dst(%dma_wait3A_276 : memref<128x128xf32, #tpu.memory_space<hbm>>)
        } else {
        }
        %add3A_247 = arith.constant 3 : i32
        %add3A_248 = arith.addi %add3A_196, %add3A_247 : i32
        %mul3A_249 = arith.constant 1 : i32
        %mul3A_250 = arith.muli %add3A_248, %mul3A_249 : i32
        %add3A_251 = arith.constant 0 : i32
        %add3A_252 = arith.addi %mul3A_250, %add3A_251 : i32
        %dma_start3A_253 = arith.constant 0 : i32
        %dma_start3A_254 = arith.constant 0 : i32
        %dma_start3A_255 = arith.constant 0 : i32
        %dma_start3A_256 = tpu.memref_slice %arg6[%dma_start3A_253, %dma_start3A_254, %dma_start3A_255] : memref<6x128x128xf32, #tpu.memory_space<vmem>> -> memref<1x128x128xf32, #tpu.memory_space<vmem>>
        %dma_start3A_257 = tpu.memref_squeeze %dma_start3A_256 : memref<1x128x128xf32, #tpu.memory_space<vmem>> -> memref<128x128xf32, #tpu.memory_space<vmem>>
        %dma_start3A_258 = arith.constant 0 : i32
        %dma_start3A_259 = tpu.memref_slice %arg5[%add3A_252, %dma_start3A_258] : memref<200x128xi32, #tpu.memory_space<vmem>> -> memref<1x128xi32, #tpu.memory_space<vmem>>
        %dma_start3A_260 = tpu.memref_squeeze %dma_start3A_259 : memref<1x128xi32, #tpu.memory_space<vmem>> -> memref<128xi32, #tpu.memory_space<vmem>>
        %dma_start3A_261 = arith.constant 0 : i32
        %dma_start3A_262 = arith.constant 0 : i32
        %dma_start3A_263 = tpu.memref_slice %arg2[%dma_start3A_261, %dma_start3A_262] : memref<100000x128xf32, #tpu.memory_space<hbm>> -> memref<100000x128xf32, #tpu.memory_space<hbm>>
        tpu.enqueue_indirect_dma source(%dma_start3A_263 : memref<100000x128xf32, #tpu.memory_space<hbm>>) target(%dma_start3A_257 : memref<128x128xf32, #tpu.memory_space<vmem>>) offsets(%dma_start3A_260 : memref<128xi32, #tpu.memory_space<vmem>>) semaphore(%arg7 : memref<!tpu.dma_semaphore, #tpu.memory_space<semaphore_mem>>)
      } else {
      }
      %lt3A_204 = arith.constant 200 : i32
      %lt3A_205 = arith.cmpi slt, %add3A_196, %lt3A_204 : i32
      %convert_element_type3A_206 = arith.extui %lt3A_205 : i1 to i32
      %cond3A_207 = arith.constant 0 : i32
      %cond3A_208 = arith.cmpi ne, %convert_element_type3A_206, %cond3A_207 : i32
      scf.if %cond3A_208 {
        %mul3A_241 = arith.constant 1 : i32
        %mul3A_242 = arith.muli %add3A_196, %mul3A_241 : i32
        %add3A_243 = arith.constant 0 : i32
        %add3A_244 = arith.addi %mul3A_242, %add3A_243 : i32
        %dma_wait3A_245 = arith.constant 3 : i32
        %dma_wait3A_246 = arith.constant 0 : i32
        %dma_wait3A_247 = arith.constant 0 : i32
        %dma_wait3A_248 = tpu.memref_slice %arg6[%dma_wait3A_245, %dma_wait3A_246, %dma_wait3A_247] : memref<6x128x128xf32, #tpu.memory_space<vmem>> -> memref<1x128x128xf32, #tpu.memory_space<vmem>>
        %dma_wait3A_249 = tpu.memref_squeeze %dma_wait3A_248 : memref<1x128x128xf32, #tpu.memory_space<vmem>> -> memref<128x128xf32, #tpu.memory_space<vmem>>
        %dma_wait3A_250 = arith.constant 0 : i32
        %dma_wait3A_251 = tpu.memref_slice %arg5[%add3A_244, %dma_wait3A_250] : memref<200x128xi32, #tpu.memory_space<vmem>> -> memref<1x128xi32, #tpu.memory_space<vmem>>
        %dma_wait3A_252 = tpu.memref_squeeze %dma_wait3A_251 : memref<1x128xi32, #tpu.memory_space<vmem>> -> memref<128xi32, #tpu.memory_space<vmem>>
        %dma_wait3A_253 = arith.constant 0 : i32
        %dma_wait3A_254 = arith.constant 0 : i32
        %dma_wait3A_255 = tpu.memref_slice %arg2[%dma_wait3A_253, %dma_wait3A_254] : memref<100000x128xf32, #tpu.memory_space<hbm>> -> memref<100000x128xf32, #tpu.memory_space<hbm>>
        tpu.wait_indirect_dma semaphore(%arg10 : memref<!tpu.dma_semaphore, #tpu.memory_space<semaphore_mem>>) src(%dma_wait3A_255 : memref<100000x128xf32, #tpu.memory_space<hbm>>) dst(%dma_wait3A_249 : memref<128x128xf32, #tpu.memory_space<vmem>>)
        %mul3A_256 = arith.constant 1 : i32
        %mul3A_257 = arith.muli %add3A_196, %mul3A_256 : i32
        %add3A_258 = arith.addi %mul3A_2, %mul3A_257 : i32
        %mul3A_259 = arith.constant 128 : i32
        %mul3A_260 = arith.muli %add3A_258, %mul3A_259 : i32
        %dma_start3A_261 = arith.constant 3 : i32
        %dma_start3A_262 = arith.constant 0 : i32
        %dma_start3A_263 = arith.constant 0 : i32
        %dma_start3A_264 = tpu.memref_slice %arg6[%dma_start3A_261, %dma_start3A_262, %dma_start3A_263] : memref<6x128x128xf32, #tpu.memory_space<vmem>> -> memref<1x128x128xf32, #tpu.memory_space<vmem>>
        %dma_start3A_265 = tpu.memref_squeeze %dma_start3A_264 : memref<1x128x128xf32, #tpu.memory_space<vmem>> -> memref<128x128xf32, #tpu.memory_space<vmem>>
        %dma_start3A_266 = arith.constant 0 : i32
        %dma_start3A_267 = tpu.memref_slice %arg4[%mul3A_260, %dma_start3A_266] : memref<819200x128xf32, #tpu.memory_space<hbm>> -> memref<128x128xf32, #tpu.memory_space<hbm>>
        %dma_start3A_268 = arith.constant 0 : i32
        %dma_start3A_269 = tpu.memref_slice %arg4[%mul3A_260, %dma_start3A_268] : memref<819200x128xf32, #tpu.memory_space<hbm>> -> memref<128x128xf32, #tpu.memory_space<hbm>>
        %dma_start3A_270 = arith.constant 0 : i32
        %dma_start3A_271 = arith.constant 0 : i32
        %dma_start3A_272 = tpu.memref_slice %arg6[%dma_start3A_261, %dma_start3A_270, %dma_start3A_271] : memref<6x128x128xf32, #tpu.memory_space<vmem>> -> memref<1x128x128xf32, #tpu.memory_space<vmem>>
        %dma_start3A_273 = tpu.memref_squeeze %dma_start3A_272 : memref<1x128x128xf32, #tpu.memory_space<vmem>> -> memref<128x128xf32, #tpu.memory_space<vmem>>
        tpu.enqueue_dma source(%dma_start3A_273 : memref<128x128xf32, #tpu.memory_space<vmem>>) target(%dma_start3A_269 : memref<128x128xf32, #tpu.memory_space<hbm>>) target_semaphore(%arg16 : memref<!tpu.dma_semaphore, #tpu.memory_space<semaphore_mem>>)
      } else {
      }
      %mul3A_209 = arith.constant 6 : i32
      %mul3A_210 = arith.muli %add3A_147, %mul3A_209 : i32
      %add3A_211 = arith.constant 4 : i32
      %add3A_212 = arith.addi %mul3A_210, %add3A_211 : i32
      %add3A_213 = arith.constant 3 : i32
      %add3A_214 = arith.addi %add3A_212, %add3A_213 : i32
      %lt3A_215 = arith.constant 200 : i32
      %lt3A_216 = arith.cmpi slt, %add3A_214, %lt3A_215 : i32
      %convert_element_type3A_217 = arith.extui %lt3A_216 : i1 to i32
      %cond3A_218 = arith.constant 0 : i32
      %cond3A_219 = arith.cmpi ne, %convert_element_type3A_217, %cond3A_218 : i32
      scf.if %cond3A_219 {
        %add3A_241 = arith.constant 3 : i32
        %add3A_242 = arith.addi %add3A_212, %add3A_241 : i32
        %ge3A = arith.constant 6 : i32
        %ge3A_243 = arith.cmpi sge, %add3A_242, %ge3A : i32
        %convert_element_type3A_244 = arith.extui %ge3A_243 : i1 to i32
        %cond3A_245 = arith.constant 0 : i32
        %cond3A_246 = arith.cmpi ne, %convert_element_type3A_244, %cond3A_245 : i32
        scf.if %cond3A_246 {
          %add3A_264 = arith.constant 0 : i32
          %add3A_265 = arith.addi %mul3A_2, %add3A_264 : i32
          %mul3A_266 = arith.constant 128 : i32
          %mul3A_267 = arith.muli %add3A_265, %mul3A_266 : i32
          %dma_wait3A_268 = arith.constant 1 : i32
          %dma_wait3A_269 = arith.constant 0 : i32
          %dma_wait3A_270 = arith.constant 0 : i32
          %dma_wait3A_271 = tpu.memref_slice %arg6[%dma_wait3A_268, %dma_wait3A_269, %dma_wait3A_270] : memref<6x128x128xf32, #tpu.memory_space<vmem>> -> memref<1x128x128xf32, #tpu.memory_space<vmem>>
          %dma_wait3A_272 = tpu.memref_squeeze %dma_wait3A_271 : memref<1x128x128xf32, #tpu.memory_space<vmem>> -> memref<128x128xf32, #tpu.memory_space<vmem>>
          %dma_wait3A_273 = arith.constant 0 : i32
          %dma_wait3A_274 = tpu.memref_slice %arg4[%mul3A_267, %dma_wait3A_273] : memref<819200x128xf32, #tpu.memory_space<hbm>> -> memref<128x128xf32, #tpu.memory_space<hbm>>
          %dma_wait3A_275 = arith.constant 0 : i32
          %dma_wait3A_276 = tpu.memref_slice %arg4[%mul3A_267, %dma_wait3A_275] : memref<819200x128xf32, #tpu.memory_space<hbm>> -> memref<128x128xf32, #tpu.memory_space<hbm>>
          %dma_wait3A_277 = arith.constant 0 : i32
          %dma_wait3A_278 = arith.constant 0 : i32
          %dma_wait3A_279 = tpu.memref_slice %arg6[%dma_wait3A_268, %dma_wait3A_277, %dma_wait3A_278] : memref<6x128x128xf32, #tpu.memory_space<vmem>> -> memref<1x128x128xf32, #tpu.memory_space<vmem>>
          %dma_wait3A_280 = tpu.memref_squeeze %dma_wait3A_279 : memref<1x128x128xf32, #tpu.memory_space<vmem>> -> memref<128x128xf32, #tpu.memory_space<vmem>>
          tpu.wait_dma2 semaphore(%arg14 : memref<!tpu.dma_semaphore, #tpu.memory_space<semaphore_mem>>) src(%dma_wait3A_280 : memref<128x128xf32, #tpu.memory_space<vmem>>) dst(%dma_wait3A_276 : memref<128x128xf32, #tpu.memory_space<hbm>>)
        } else {
        }
        %add3A_247 = arith.constant 3 : i32
        %add3A_248 = arith.addi %add3A_212, %add3A_247 : i32
        %mul3A_249 = arith.constant 1 : i32
        %mul3A_250 = arith.muli %add3A_248, %mul3A_249 : i32
        %add3A_251 = arith.constant 0 : i32
        %add3A_252 = arith.addi %mul3A_250, %add3A_251 : i32
        %dma_start3A_253 = arith.constant 1 : i32
        %dma_start3A_254 = arith.constant 0 : i32
        %dma_start3A_255 = arith.constant 0 : i32
        %dma_start3A_256 = tpu.memref_slice %arg6[%dma_start3A_253, %dma_start3A_254, %dma_start3A_255] : memref<6x128x128xf32, #tpu.memory_space<vmem>> -> memref<1x128x128xf32, #tpu.memory_space<vmem>>
        %dma_start3A_257 = tpu.memref_squeeze %dma_start3A_256 : memref<1x128x128xf32, #tpu.memory_space<vmem>> -> memref<128x128xf32, #tpu.memory_space<vmem>>
        %dma_start3A_258 = arith.constant 0 : i32
        %dma_start3A_259 = tpu.memref_slice %arg5[%add3A_252, %dma_start3A_258] : memref<200x128xi32, #tpu.memory_space<vmem>> -> memref<1x128xi32, #tpu.memory_space<vmem>>
        %dma_start3A_260 = tpu.memref_squeeze %dma_start3A_259 : memref<1x128xi32, #tpu.memory_space<vmem>> -> memref<128xi32, #tpu.memory_space<vmem>>
        %dma_start3A_261 = arith.constant 0 : i32
        %dma_start3A_262 = arith.constant 0 : i32
        %dma_start3A_263 = tpu.memref_slice %arg2[%dma_start3A_261, %dma_start3A_262] : memref<100000x128xf32, #tpu.memory_space<hbm>> -> memref<100000x128xf32, #tpu.memory_space<hbm>>
        tpu.enqueue_indirect_dma source(%dma_start3A_263 : memref<100000x128xf32, #tpu.memory_space<hbm>>) target(%dma_start3A_257 : memref<128x128xf32, #tpu.memory_space<vmem>>) offsets(%dma_start3A_260 : memref<128xi32, #tpu.memory_space<vmem>>) semaphore(%arg8 : memref<!tpu.dma_semaphore, #tpu.memory_space<semaphore_mem>>)
      } else {
      }
      %lt3A_220 = arith.constant 200 : i32
      %lt3A_221 = arith.cmpi slt, %add3A_212, %lt3A_220 : i32
      %convert_element_type3A_222 = arith.extui %lt3A_221 : i1 to i32
      %cond3A_223 = arith.constant 0 : i32
      %cond3A_224 = arith.cmpi ne, %convert_element_type3A_222, %cond3A_223 : i32
      scf.if %cond3A_224 {
        %mul3A_241 = arith.constant 1 : i32
        %mul3A_242 = arith.muli %add3A_212, %mul3A_241 : i32
        %add3A_243 = arith.constant 0 : i32
        %add3A_244 = arith.addi %mul3A_242, %add3A_243 : i32
        %dma_wait3A_245 = arith.constant 4 : i32
        %dma_wait3A_246 = arith.constant 0 : i32
        %dma_wait3A_247 = arith.constant 0 : i32
        %dma_wait3A_248 = tpu.memref_slice %arg6[%dma_wait3A_245, %dma_wait3A_246, %dma_wait3A_247] : memref<6x128x128xf32, #tpu.memory_space<vmem>> -> memref<1x128x128xf32, #tpu.memory_space<vmem>>
        %dma_wait3A_249 = tpu.memref_squeeze %dma_wait3A_248 : memref<1x128x128xf32, #tpu.memory_space<vmem>> -> memref<128x128xf32, #tpu.memory_space<vmem>>
        %dma_wait3A_250 = arith.constant 0 : i32
        %dma_wait3A_251 = tpu.memref_slice %arg5[%add3A_244, %dma_wait3A_250] : memref<200x128xi32, #tpu.memory_space<vmem>> -> memref<1x128xi32, #tpu.memory_space<vmem>>
        %dma_wait3A_252 = tpu.memref_squeeze %dma_wait3A_251 : memref<1x128xi32, #tpu.memory_space<vmem>> -> memref<128xi32, #tpu.memory_space<vmem>>
        %dma_wait3A_253 = arith.constant 0 : i32
        %dma_wait3A_254 = arith.constant 0 : i32
        %dma_wait3A_255 = tpu.memref_slice %arg2[%dma_wait3A_253, %dma_wait3A_254] : memref<100000x128xf32, #tpu.memory_space<hbm>> -> memref<100000x128xf32, #tpu.memory_space<hbm>>
        tpu.wait_indirect_dma semaphore(%arg11 : memref<!tpu.dma_semaphore, #tpu.memory_space<semaphore_mem>>) src(%dma_wait3A_255 : memref<100000x128xf32, #tpu.memory_space<hbm>>) dst(%dma_wait3A_249 : memref<128x128xf32, #tpu.memory_space<vmem>>)
        %mul3A_256 = arith.constant 1 : i32
        %mul3A_257 = arith.muli %add3A_212, %mul3A_256 : i32
        %add3A_258 = arith.addi %mul3A_2, %mul3A_257 : i32
        %mul3A_259 = arith.constant 128 : i32
        %mul3A_260 = arith.muli %add3A_258, %mul3A_259 : i32
        %dma_start3A_261 = arith.constant 4 : i32
        %dma_start3A_262 = arith.constant 0 : i32
        %dma_start3A_263 = arith.constant 0 : i32
        %dma_start3A_264 = tpu.memref_slice %arg6[%dma_start3A_261, %dma_start3A_262, %dma_start3A_263] : memref<6x128x128xf32, #tpu.memory_space<vmem>> -> memref<1x128x128xf32, #tpu.memory_space<vmem>>
        %dma_start3A_265 = tpu.memref_squeeze %dma_start3A_264 : memref<1x128x128xf32, #tpu.memory_space<vmem>> -> memref<128x128xf32, #tpu.memory_space<vmem>>
        %dma_start3A_266 = arith.constant 0 : i32
        %dma_start3A_267 = tpu.memref_slice %arg4[%mul3A_260, %dma_start3A_266] : memref<819200x128xf32, #tpu.memory_space<hbm>> -> memref<128x128xf32, #tpu.memory_space<hbm>>
        %dma_start3A_268 = arith.constant 0 : i32
        %dma_start3A_269 = tpu.memref_slice %arg4[%mul3A_260, %dma_start3A_268] : memref<819200x128xf32, #tpu.memory_space<hbm>> -> memref<128x128xf32, #tpu.memory_space<hbm>>
        %dma_start3A_270 = arith.constant 0 : i32
        %dma_start3A_271 = arith.constant 0 : i32
        %dma_start3A_272 = tpu.memref_slice %arg6[%dma_start3A_261, %dma_start3A_270, %dma_start3A_271] : memref<6x128x128xf32, #tpu.memory_space<vmem>> -> memref<1x128x128xf32, #tpu.memory_space<vmem>>
        %dma_start3A_273 = tpu.memref_squeeze %dma_start3A_272 : memref<1x128x128xf32, #tpu.memory_space<vmem>> -> memref<128x128xf32, #tpu.memory_space<vmem>>
        tpu.enqueue_dma source(%dma_start3A_273 : memref<128x128xf32, #tpu.memory_space<vmem>>) target(%dma_start3A_269 : memref<128x128xf32, #tpu.memory_space<hbm>>) target_semaphore(%arg17 : memref<!tpu.dma_semaphore, #tpu.memory_space<semaphore_mem>>)
      } else {
      }
      %mul3A_225 = arith.constant 6 : i32
      %mul3A_226 = arith.muli %add3A_147, %mul3A_225 : i32
      %add3A_227 = arith.constant 5 : i32
      %add3A_228 = arith.addi %mul3A_226, %add3A_227 : i32
      %add3A_229 = arith.constant 3 : i32
      %add3A_230 = arith.addi %add3A_228, %add3A_229 : i32
      %lt3A_231 = arith.constant 200 : i32
      %lt3A_232 = arith.cmpi slt, %add3A_230, %lt3A_231 : i32
      %convert_element_type3A_233 = arith.extui %lt3A_232 : i1 to i32
      %cond3A_234 = arith.constant 0 : i32
      %cond3A_235 = arith.cmpi ne, %convert_element_type3A_233, %cond3A_234 : i32
      scf.if %cond3A_235 {
        %add3A_241 = arith.constant 3 : i32
        %add3A_242 = arith.addi %add3A_228, %add3A_241 : i32
        %ge3A = arith.constant 6 : i32
        %ge3A_243 = arith.cmpi sge, %add3A_242, %ge3A : i32
        %convert_element_type3A_244 = arith.extui %ge3A_243 : i1 to i32
        %cond3A_245 = arith.constant 0 : i32
        %cond3A_246 = arith.cmpi ne, %convert_element_type3A_244, %cond3A_245 : i32
        scf.if %cond3A_246 {
          %add3A_264 = arith.constant 0 : i32
          %add3A_265 = arith.addi %mul3A_2, %add3A_264 : i32
          %mul3A_266 = arith.constant 128 : i32
          %mul3A_267 = arith.muli %add3A_265, %mul3A_266 : i32
          %dma_wait3A_268 = arith.constant 2 : i32
          %dma_wait3A_269 = arith.constant 0 : i32
          %dma_wait3A_270 = arith.constant 0 : i32
          %dma_wait3A_271 = tpu.memref_slice %arg6[%dma_wait3A_268, %dma_wait3A_269, %dma_wait3A_270] : memref<6x128x128xf32, #tpu.memory_space<vmem>> -> memref<1x128x128xf32, #tpu.memory_space<vmem>>
          %dma_wait3A_272 = tpu.memref_squeeze %dma_wait3A_271 : memref<1x128x128xf32, #tpu.memory_space<vmem>> -> memref<128x128xf32, #tpu.memory_space<vmem>>
          %dma_wait3A_273 = arith.constant 0 : i32
          %dma_wait3A_274 = tpu.memref_slice %arg4[%mul3A_267, %dma_wait3A_273] : memref<819200x128xf32, #tpu.memory_space<hbm>> -> memref<128x128xf32, #tpu.memory_space<hbm>>
          %dma_wait3A_275 = arith.constant 0 : i32
          %dma_wait3A_276 = tpu.memref_slice %arg4[%mul3A_267, %dma_wait3A_275] : memref<819200x128xf32, #tpu.memory_space<hbm>> -> memref<128x128xf32, #tpu.memory_space<hbm>>
          %dma_wait3A_277 = arith.constant 0 : i32
          %dma_wait3A_278 = arith.constant 0 : i32
          %dma_wait3A_279 = tpu.memref_slice %arg6[%dma_wait3A_268, %dma_wait3A_277, %dma_wait3A_278] : memref<6x128x128xf32, #tpu.memory_space<vmem>> -> memref<1x128x128xf32, #tpu.memory_space<vmem>>
          %dma_wait3A_280 = tpu.memref_squeeze %dma_wait3A_279 : memref<1x128x128xf32, #tpu.memory_space<vmem>> -> memref<128x128xf32, #tpu.memory_space<vmem>>
          tpu.wait_dma2 semaphore(%arg15 : memref<!tpu.dma_semaphore, #tpu.memory_space<semaphore_mem>>) src(%dma_wait3A_280 : memref<128x128xf32, #tpu.memory_space<vmem>>) dst(%dma_wait3A_276 : memref<128x128xf32, #tpu.memory_space<hbm>>)
        } else {
        }
        %add3A_247 = arith.constant 3 : i32
        %add3A_248 = arith.addi %add3A_228, %add3A_247 : i32
        %mul3A_249 = arith.constant 1 : i32
        %mul3A_250 = arith.muli %add3A_248, %mul3A_249 : i32
        %add3A_251 = arith.constant 0 : i32
        %add3A_252 = arith.addi %mul3A_250, %add3A_251 : i32
        %dma_start3A_253 = arith.constant 2 : i32
        %dma_start3A_254 = arith.constant 0 : i32
        %dma_start3A_255 = arith.constant 0 : i32
        %dma_start3A_256 = tpu.memref_slice %arg6[%dma_start3A_253, %dma_start3A_254, %dma_start3A_255] : memref<6x128x128xf32, #tpu.memory_space<vmem>> -> memref<1x128x128xf32, #tpu.memory_space<vmem>>
        %dma_start3A_257 = tpu.memref_squeeze %dma_start3A_256 : memref<1x128x128xf32, #tpu.memory_space<vmem>> -> memref<128x128xf32, #tpu.memory_space<vmem>>
        %dma_start3A_258 = arith.constant 0 : i32
        %dma_start3A_259 = tpu.memref_slice %arg5[%add3A_252, %dma_start3A_258] : memref<200x128xi32, #tpu.memory_space<vmem>> -> memref<1x128xi32, #tpu.memory_space<vmem>>
        %dma_start3A_260 = tpu.memref_squeeze %dma_start3A_259 : memref<1x128xi32, #tpu.memory_space<vmem>> -> memref<128xi32, #tpu.memory_space<vmem>>
        %dma_start3A_261 = arith.constant 0 : i32
        %dma_start3A_262 = arith.constant 0 : i32
        %dma_start3A_263 = tpu.memref_slice %arg2[%dma_start3A_261, %dma_start3A_262] : memref<100000x128xf32, #tpu.memory_space<hbm>> -> memref<100000x128xf32, #tpu.memory_space<hbm>>
        tpu.enqueue_indirect_dma source(%dma_start3A_263 : memref<100000x128xf32, #tpu.memory_space<hbm>>) target(%dma_start3A_257 : memref<128x128xf32, #tpu.memory_space<vmem>>) offsets(%dma_start3A_260 : memref<128xi32, #tpu.memory_space<vmem>>) semaphore(%arg9 : memref<!tpu.dma_semaphore, #tpu.memory_space<semaphore_mem>>)
      } else {
      }
      %lt3A_236 = arith.constant 200 : i32
      %lt3A_237 = arith.cmpi slt, %add3A_228, %lt3A_236 : i32
      %convert_element_type3A_238 = arith.extui %lt3A_237 : i1 to i32
      %cond3A_239 = arith.constant 0 : i32
      %cond3A_240 = arith.cmpi ne, %convert_element_type3A_238, %cond3A_239 : i32
      scf.if %cond3A_240 {
        %mul3A_241 = arith.constant 1 : i32
        %mul3A_242 = arith.muli %add3A_228, %mul3A_241 : i32
        %add3A_243 = arith.constant 0 : i32
        %add3A_244 = arith.addi %mul3A_242, %add3A_243 : i32
        %dma_wait3A_245 = arith.constant 5 : i32
        %dma_wait3A_246 = arith.constant 0 : i32
        %dma_wait3A_247 = arith.constant 0 : i32
        %dma_wait3A_248 = tpu.memref_slice %arg6[%dma_wait3A_245, %dma_wait3A_246, %dma_wait3A_247] : memref<6x128x128xf32, #tpu.memory_space<vmem>> -> memref<1x128x128xf32, #tpu.memory_space<vmem>>
        %dma_wait3A_249 = tpu.memref_squeeze %dma_wait3A_248 : memref<1x128x128xf32, #tpu.memory_space<vmem>> -> memref<128x128xf32, #tpu.memory_space<vmem>>
        %dma_wait3A_250 = arith.constant 0 : i32
        %dma_wait3A_251 = tpu.memref_slice %arg5[%add3A_244, %dma_wait3A_250] : memref<200x128xi32, #tpu.memory_space<vmem>> -> memref<1x128xi32, #tpu.memory_space<vmem>>
        %dma_wait3A_252 = tpu.memref_squeeze %dma_wait3A_251 : memref<1x128xi32, #tpu.memory_space<vmem>> -> memref<128xi32, #tpu.memory_space<vmem>>
        %dma_wait3A_253 = arith.constant 0 : i32
        %dma_wait3A_254 = arith.constant 0 : i32
        %dma_wait3A_255 = tpu.memref_slice %arg2[%dma_wait3A_253, %dma_wait3A_254] : memref<100000x128xf32, #tpu.memory_space<hbm>> -> memref<100000x128xf32, #tpu.memory_space<hbm>>
        tpu.wait_indirect_dma semaphore(%arg12 : memref<!tpu.dma_semaphore, #tpu.memory_space<semaphore_mem>>) src(%dma_wait3A_255 : memref<100000x128xf32, #tpu.memory_space<hbm>>) dst(%dma_wait3A_249 : memref<128x128xf32, #tpu.memory_space<vmem>>)
        %mul3A_256 = arith.constant 1 : i32
        %mul3A_257 = arith.muli %add3A_228, %mul3A_256 : i32
        %add3A_258 = arith.addi %mul3A_2, %mul3A_257 : i32
        %mul3A_259 = arith.constant 128 : i32
        %mul3A_260 = arith.muli %add3A_258, %mul3A_259 : i32
        %dma_start3A_261 = arith.constant 5 : i32
        %dma_start3A_262 = arith.constant 0 : i32
        %dma_start3A_263 = arith.constant 0 : i32
        %dma_start3A_264 = tpu.memref_slice %arg6[%dma_start3A_261, %dma_start3A_262, %dma_start3A_263] : memref<6x128x128xf32, #tpu.memory_space<vmem>> -> memref<1x128x128xf32, #tpu.memory_space<vmem>>
        %dma_start3A_265 = tpu.memref_squeeze %dma_start3A_264 : memref<1x128x128xf32, #tpu.memory_space<vmem>> -> memref<128x128xf32, #tpu.memory_space<vmem>>
        %dma_start3A_266 = arith.constant 0 : i32
        %dma_start3A_267 = tpu.memref_slice %arg4[%mul3A_260, %dma_start3A_266] : memref<819200x128xf32, #tpu.memory_space<hbm>> -> memref<128x128xf32, #tpu.memory_space<hbm>>
        %dma_start3A_268 = arith.constant 0 : i32
        %dma_start3A_269 = tpu.memref_slice %arg4[%mul3A_260, %dma_start3A_268] : memref<819200x128xf32, #tpu.memory_space<hbm>> -> memref<128x128xf32, #tpu.memory_space<hbm>>
        %dma_start3A_270 = arith.constant 0 : i32
        %dma_start3A_271 = arith.constant 0 : i32
        %dma_start3A_272 = tpu.memref_slice %arg6[%dma_start3A_261, %dma_start3A_270, %dma_start3A_271] : memref<6x128x128xf32, #tpu.memory_space<vmem>> -> memref<1x128x128xf32, #tpu.memory_space<vmem>>
        %dma_start3A_273 = tpu.memref_squeeze %dma_start3A_272 : memref<1x128x128xf32, #tpu.memory_space<vmem>> -> memref<128x128xf32, #tpu.memory_space<vmem>>
        tpu.enqueue_dma source(%dma_start3A_273 : memref<128x128xf32, #tpu.memory_space<vmem>>) target(%dma_start3A_269 : memref<128x128xf32, #tpu.memory_space<hbm>>) target_semaphore(%arg18 : memref<!tpu.dma_semaphore, #tpu.memory_space<semaphore_mem>>)
      } else {
      }
    }
    %scan3A_41 = arith.constant 34 : i32
    %add3A_42 = arith.constant 0 : i32
    %add3A_43 = arith.addi %mul3A_2, %add3A_42 : i32
    %mul3A_44 = arith.constant 128 : i32
    %mul3A_45 = arith.muli %add3A_43, %mul3A_44 : i32
    %dma_wait3A = arith.constant 0 : i32
    %dma_wait3A_46 = arith.constant 0 : i32
    %dma_wait3A_47 = arith.constant 0 : i32
    %dma_wait3A_48 = tpu.memref_slice %arg6[%dma_wait3A, %dma_wait3A_46, %dma_wait3A_47] : memref<6x128x128xf32, #tpu.memory_space<vmem>> -> memref<1x128x128xf32, #tpu.memory_space<vmem>>
    %dma_wait3A_49 = tpu.memref_squeeze %dma_wait3A_48 : memref<1x128x128xf32, #tpu.memory_space<vmem>> -> memref<128x128xf32, #tpu.memory_space<vmem>>
    %dma_wait3A_50 = arith.constant 0 : i32
    %dma_wait3A_51 = tpu.memref_slice %arg4[%mul3A_45, %dma_wait3A_50] : memref<819200x128xf32, #tpu.memory_space<hbm>> -> memref<128x128xf32, #tpu.memory_space<hbm>>
    %dma_wait3A_52 = arith.constant 0 : i32
    %dma_wait3A_53 = tpu.memref_slice %arg4[%mul3A_45, %dma_wait3A_52] : memref<819200x128xf32, #tpu.memory_space<hbm>> -> memref<128x128xf32, #tpu.memory_space<hbm>>
    %dma_wait3A_54 = arith.constant 0 : i32
    %dma_wait3A_55 = arith.constant 0 : i32
    %dma_wait3A_56 = tpu.memref_slice %arg6[%dma_wait3A, %dma_wait3A_54, %dma_wait3A_55] : memref<6x128x128xf32, #tpu.memory_space<vmem>> -> memref<1x128x128xf32, #tpu.memory_space<vmem>>
    %dma_wait3A_57 = tpu.memref_squeeze %dma_wait3A_56 : memref<1x128x128xf32, #tpu.memory_space<vmem>> -> memref<128x128xf32, #tpu.memory_space<vmem>>
    tpu.wait_dma2 semaphore(%arg13 : memref<!tpu.dma_semaphore, #tpu.memory_space<semaphore_mem>>) src(%dma_wait3A_57 : memref<128x128xf32, #tpu.memory_space<vmem>>) dst(%dma_wait3A_53 : memref<128x128xf32, #tpu.memory_space<hbm>>)
    %add3A_58 = arith.constant 0 : i32
    %add3A_59 = arith.addi %mul3A_2, %add3A_58 : i32
    %mul3A_60 = arith.constant 128 : i32
    %mul3A_61 = arith.muli %add3A_59, %mul3A_60 : i32
    %dma_wait3A_62 = arith.constant 1 : i32
    %dma_wait3A_63 = arith.constant 0 : i32
    %dma_wait3A_64 = arith.constant 0 : i32
    %dma_wait3A_65 = tpu.memref_slice %arg6[%dma_wait3A_62, %dma_wait3A_63, %dma_wait3A_64] : memref<6x128x128xf32, #tpu.memory_space<vmem>> -> memref<1x128x128xf32, #tpu.memory_space<vmem>>
    %dma_wait3A_66 = tpu.memref_squeeze %dma_wait3A_65 : memref<1x128x128xf32, #tpu.memory_space<vmem>> -> memref<128x128xf32, #tpu.memory_space<vmem>>
    %dma_wait3A_67 = arith.constant 0 : i32
    %dma_wait3A_68 = tpu.memref_slice %arg4[%mul3A_61, %dma_wait3A_67] : memref<819200x128xf32, #tpu.memory_space<hbm>> -> memref<128x128xf32, #tpu.memory_space<hbm>>
    %dma_wait3A_69 = arith.constant 0 : i32
    %dma_wait3A_70 = tpu.memref_slice %arg4[%mul3A_61, %dma_wait3A_69] : memref<819200x128xf32, #tpu.memory_space<hbm>> -> memref<128x128xf32, #tpu.memory_space<hbm>>
    %dma_wait3A_71 = arith.constant 0 : i32
    %dma_wait3A_72 = arith.constant 0 : i32
    %dma_wait3A_73 = tpu.memref_slice %arg6[%dma_wait3A_62, %dma_wait3A_71, %dma_wait3A_72] : memref<6x128x128xf32, #tpu.memory_space<vmem>> -> memref<1x128x128xf32, #tpu.memory_space<vmem>>
    %dma_wait3A_74 = tpu.memref_squeeze %dma_wait3A_73 : memref<1x128x128xf32, #tpu.memory_space<vmem>> -> memref<128x128xf32, #tpu.memory_space<vmem>>
    tpu.wait_dma2 semaphore(%arg14 : memref<!tpu.dma_semaphore, #tpu.memory_space<semaphore_mem>>) src(%dma_wait3A_74 : memref<128x128xf32, #tpu.memory_space<vmem>>) dst(%dma_wait3A_70 : memref<128x128xf32, #tpu.memory_space<hbm>>)
    %add3A_75 = arith.constant 0 : i32
    %add3A_76 = arith.addi %mul3A_2, %add3A_75 : i32
    %mul3A_77 = arith.constant 128 : i32
    %mul3A_78 = arith.muli %add3A_76, %mul3A_77 : i32
    %dma_wait3A_79 = arith.constant 2 : i32
    %dma_wait3A_80 = arith.constant 0 : i32
    %dma_wait3A_81 = arith.constant 0 : i32
    %dma_wait3A_82 = tpu.memref_slice %arg6[%dma_wait3A_79, %dma_wait3A_80, %dma_wait3A_81] : memref<6x128x128xf32, #tpu.memory_space<vmem>> -> memref<1x128x128xf32, #tpu.memory_space<vmem>>
    %dma_wait3A_83 = tpu.memref_squeeze %dma_wait3A_82 : memref<1x128x128xf32, #tpu.memory_space<vmem>> -> memref<128x128xf32, #tpu.memory_space<vmem>>
    %dma_wait3A_84 = arith.constant 0 : i32
    %dma_wait3A_85 = tpu.memref_slice %arg4[%mul3A_78, %dma_wait3A_84] : memref<819200x128xf32, #tpu.memory_space<hbm>> -> memref<128x128xf32, #tpu.memory_space<hbm>>
    %dma_wait3A_86 = arith.constant 0 : i32
    %dma_wait3A_87 = tpu.memref_slice %arg4[%mul3A_78, %dma_wait3A_86] : memref<819200x128xf32, #tpu.memory_space<hbm>> -> memref<128x128xf32, #tpu.memory_space<hbm>>
    %dma_wait3A_88 = arith.constant 0 : i32
    %dma_wait3A_89 = arith.constant 0 : i32
    %dma_wait3A_90 = tpu.memref_slice %arg6[%dma_wait3A_79, %dma_wait3A_88, %dma_wait3A_89] : memref<6x128x128xf32, #tpu.memory_space<vmem>> -> memref<1x128x128xf32, #tpu.memory_space<vmem>>
    %dma_wait3A_91 = tpu.memref_squeeze %dma_wait3A_90 : memref<1x128x128xf32, #tpu.memory_space<vmem>> -> memref<128x128xf32, #tpu.memory_space<vmem>>
    tpu.wait_dma2 semaphore(%arg15 : memref<!tpu.dma_semaphore, #tpu.memory_space<semaphore_mem>>) src(%dma_wait3A_91 : memref<128x128xf32, #tpu.memory_space<vmem>>) dst(%dma_wait3A_87 : memref<128x128xf32, #tpu.memory_space<hbm>>)
    %add3A_92 = arith.constant 0 : i32
    %add3A_93 = arith.addi %mul3A_2, %add3A_92 : i32
    %mul3A_94 = arith.constant 128 : i32
    %mul3A_95 = arith.muli %add3A_93, %mul3A_94 : i32
    %dma_wait3A_96 = arith.constant 3 : i32
    %dma_wait3A_97 = arith.constant 0 : i32
    %dma_wait3A_98 = arith.constant 0 : i32
    %dma_wait3A_99 = tpu.memref_slice %arg6[%dma_wait3A_96, %dma_wait3A_97, %dma_wait3A_98] : memref<6x128x128xf32, #tpu.memory_space<vmem>> -> memref<1x128x128xf32, #tpu.memory_space<vmem>>
    %dma_wait3A_100 = tpu.memref_squeeze %dma_wait3A_99 : memref<1x128x128xf32, #tpu.memory_space<vmem>> -> memref<128x128xf32, #tpu.memory_space<vmem>>
    %dma_wait3A_101 = arith.constant 0 : i32
    %dma_wait3A_102 = tpu.memref_slice %arg4[%mul3A_95, %dma_wait3A_101] : memref<819200x128xf32, #tpu.memory_space<hbm>> -> memref<128x128xf32, #tpu.memory_space<hbm>>
    %dma_wait3A_103 = arith.constant 0 : i32
    %dma_wait3A_104 = tpu.memref_slice %arg4[%mul3A_95, %dma_wait3A_103] : memref<819200x128xf32, #tpu.memory_space<hbm>> -> memref<128x128xf32, #tpu.memory_space<hbm>>
    %dma_wait3A_105 = arith.constant 0 : i32
    %dma_wait3A_106 = arith.constant 0 : i32
    %dma_wait3A_107 = tpu.memref_slice %arg6[%dma_wait3A_96, %dma_wait3A_105, %dma_wait3A_106] : memref<6x128x128xf32, #tpu.memory_space<vmem>> -> memref<1x128x128xf32, #tpu.memory_space<vmem>>
    %dma_wait3A_108 = tpu.memref_squeeze %dma_wait3A_107 : memref<1x128x128xf32, #tpu.memory_space<vmem>> -> memref<128x128xf32, #tpu.memory_space<vmem>>
    tpu.wait_dma2 semaphore(%arg16 : memref<!tpu.dma_semaphore, #tpu.memory_space<semaphore_mem>>) src(%dma_wait3A_108 : memref<128x128xf32, #tpu.memory_space<vmem>>) dst(%dma_wait3A_104 : memref<128x128xf32, #tpu.memory_space<hbm>>)
    %add3A_109 = arith.constant 0 : i32
    %add3A_110 = arith.addi %mul3A_2, %add3A_109 : i32
    %mul3A_111 = arith.constant 128 : i32
    %mul3A_112 = arith.muli %add3A_110, %mul3A_111 : i32
    %dma_wait3A_113 = arith.constant 4 : i32
    %dma_wait3A_114 = arith.constant 0 : i32
    %dma_wait3A_115 = arith.constant 0 : i32
    %dma_wait3A_116 = tpu.memref_slice %arg6[%dma_wait3A_113, %dma_wait3A_114, %dma_wait3A_115] : memref<6x128x128xf32, #tpu.memory_space<vmem>> -> memref<1x128x128xf32, #tpu.memory_space<vmem>>
    %dma_wait3A_117 = tpu.memref_squeeze %dma_wait3A_116 : memref<1x128x128xf32, #tpu.memory_space<vmem>> -> memref<128x128xf32, #tpu.memory_space<vmem>>
    %dma_wait3A_118 = arith.constant 0 : i32
    %dma_wait3A_119 = tpu.memref_slice %arg4[%mul3A_112, %dma_wait3A_118] : memref<819200x128xf32, #tpu.memory_space<hbm>> -> memref<128x128xf32, #tpu.memory_space<hbm>>
    %dma_wait3A_120 = arith.constant 0 : i32
    %dma_wait3A_121 = tpu.memref_slice %arg4[%mul3A_112, %dma_wait3A_120] : memref<819200x128xf32, #tpu.memory_space<hbm>> -> memref<128x128xf32, #tpu.memory_space<hbm>>
    %dma_wait3A_122 = arith.constant 0 : i32
    %dma_wait3A_123 = arith.constant 0 : i32
    %dma_wait3A_124 = tpu.memref_slice %arg6[%dma_wait3A_113, %dma_wait3A_122, %dma_wait3A_123] : memref<6x128x128xf32, #tpu.memory_space<vmem>> -> memref<1x128x128xf32, #tpu.memory_space<vmem>>
    %dma_wait3A_125 = tpu.memref_squeeze %dma_wait3A_124 : memref<1x128x128xf32, #tpu.memory_space<vmem>> -> memref<128x128xf32, #tpu.memory_space<vmem>>
    tpu.wait_dma2 semaphore(%arg17 : memref<!tpu.dma_semaphore, #tpu.memory_space<semaphore_mem>>) src(%dma_wait3A_125 : memref<128x128xf32, #tpu.memory_space<vmem>>) dst(%dma_wait3A_121 : memref<128x128xf32, #tpu.memory_space<hbm>>)
    %add3A_126 = arith.constant 0 : i32
    %add3A_127 = arith.addi %mul3A_2, %add3A_126 : i32
    %mul3A_128 = arith.constant 128 : i32
    %mul3A_129 = arith.muli %add3A_127, %mul3A_128 : i32
    %dma_wait3A_130 = arith.constant 5 : i32
    %dma_wait3A_131 = arith.constant 0 : i32
    %dma_wait3A_132 = arith.constant 0 : i32
    %dma_wait3A_133 = tpu.memref_slice %arg6[%dma_wait3A_130, %dma_wait3A_131, %dma_wait3A_132] : memref<6x128x128xf32, #tpu.memory_space<vmem>> -> memref<1x128x128xf32, #tpu.memory_space<vmem>>
    %dma_wait3A_134 = tpu.memref_squeeze %dma_wait3A_133 : memref<1x128x128xf32, #tpu.memory_space<vmem>> -> memref<128x128xf32, #tpu.memory_space<vmem>>
    %dma_wait3A_135 = arith.constant 0 : i32
    %dma_wait3A_136 = tpu.memref_slice %arg4[%mul3A_129, %dma_wait3A_135] : memref<819200x128xf32, #tpu.memory_space<hbm>> -> memref<128x128xf32, #tpu.memory_space<hbm>>
    %dma_wait3A_137 = arith.constant 0 : i32
    %dma_wait3A_138 = tpu.memref_slice %arg4[%mul3A_129, %dma_wait3A_137] : memref<819200x128xf32, #tpu.memory_space<hbm>> -> memref<128x128xf32, #tpu.memory_space<hbm>>
    %dma_wait3A_139 = arith.constant 0 : i32
    %dma_wait3A_140 = arith.constant 0 : i32
    %dma_wait3A_141 = tpu.memref_slice %arg6[%dma_wait3A_130, %dma_wait3A_139, %dma_wait3A_140] : memref<6x128x128xf32, #tpu.memory_space<vmem>> -> memref<1x128x128xf32, #tpu.memory_space<vmem>>
    %dma_wait3A_142 = tpu.memref_squeeze %dma_wait3A_141 : memref<1x128x128xf32, #tpu.memory_space<vmem>> -> memref<128x128xf32, #tpu.memory_space<vmem>>
    tpu.wait_dma2 semaphore(%arg18 : memref<!tpu.dma_semaphore, #tpu.memory_space<semaphore_mem>>) src(%dma_wait3A_142 : memref<128x128xf32, #tpu.memory_space<vmem>>) dst(%dma_wait3A_138 : memref<128x128xf32, #tpu.memory_space<hbm>>)
    return
  }
}

</mosaic_0001>

<sc_bundles>
// kernel: kernel.3.cloned.1.call-start
scs
__scs_entry_jumppad:
0x0: {  	(pc) =	sbr.rel $0x88, $3  }
0x1: {  	(tag) =	ssettag $0x0;
	lr =	simm.s32 $0x1  }
0x2: {  	[smem:$0x3F9F] =	sst lr;
	_ =	strace $0xD0000000  }
0x3: {  	_ = 	snop  }
0x4: {  	_ = 	snop  }
0x5: {  	_ = 	snop  }
0x6: {  	_ = 	snop  }
0x7: {  	_ = 	snop  }
__scs_overlays_trampoline_lowered:
0x8: {  	[smem:$0x3FAE] =	sst s0  }
0x9: {  	[smem:$0x3FAF] =	sst s1  }
0xa: {  	[smem:$0x3FB0] =	sst s2  }
0xb: {  	[smem:$0x3FB1] =	sst s3  }
0xc: {  	[smem:$0x3FB2] =	sst s4  }
0xd: {  	[smem:$0x3FB3] =	sst s5  }
0xe: {  	[smem:$0x3FB4] =	sst s6  }
0xf: {  	[smem:$0x3FB5] =	sst s7  }
0x10: {  	[smem:$0x3FB6] =	sst s8  }
0x11: {  	[smem:$0x3FB7] =	sst s9;
	s0 =	simm.s32 @!p0 $0x0  }
0x12: {  	s1 =	sld [smem:$0x3F9D];
	s0 =	simm.s32 @p0 $0x1  }
0x13: {  	[smem:$0x3FB8] =	sst s0;
	s0 =	simm.s32 @!p1 $0x0  }
0x14: {  	s2 =	sld [smem:$0x3F9C];
	s0 =	simm.s32 @p1 $0x1  }
0x15: {  	[smem:$0x3FB9] =	sst s0;
	s0 =	simm.s32 @!p2 $0x0  }
0x16: {  	s3 =	sld [smem:$0x3FDB];
	s0 =	simm.s32 @p2 $0x1  }
0x17: {  	s4 =	simm.s32 $0x1BF5;
	[smem:$0x3FBB] =	sst s0  }
0x18: {  	s0 =	sld [smem:$0x3F9E];
	_ =	swait.ge [sflag:s4], $0x0  }
0x19: {  	s7 =	sld [smem:$0x3F9F]  }
0x1a: {  	s8 =	sadd.s32 $0xFFFFE003, lr  }
0x1b: {  	s9 =	sadd.s32 $0xFFFFFEF7, lr;
	s5 =	simm.s32 $0xFFFFFFFF;
	p2 =	slt.u32 s8, $0xFFFFF086  }
0x1c: {  	p1 =	slt.u32 s9, $0xF7A;
	s5 =	simm.s32 @!p2 $0x0  }
0x1d: {  	s5 =	simm.s32 @p1 $0x1;
	p0 =	seq.s32 s7, s2  }
0x1e: {  	s7 =	smul.u32 @!p0 $0xF7A, s2;
	p2 =	seq.s32 @!p0 s5, $0x0  }
0x1f: {  	s9 =	smul.u32 $0xF7A, s1;
	s8 =	simm.s32 @!p0 $0x1BF5;
	p2 =	por !p2, p0  }
0x20: {  	[sflag:s8] =	ssyncset.s32 @!p0 $0xFFFFF086;
	s6 =	sadd.s32 @!p0 s3, s7;
	s7 =	simm.s32 @!p0 $0x108  }
0x21: {  	s3 =	sadd.s32 s3, s9;
	s6 =	sadd.s32 @!p0 $0x88, s6;
	s7 =	simm.s32 @p2 $0x1082  }
0x22: {  	[simem:s7], [sflag:s8] =	dma.local @!p0 [hbm:s6], $0xF7A  }
0x23: {  	s9 =	sor.u32 $0xD0000000, s2;
	s6 =	simm.s32 $0x108;
	_ =	swait.ge @!p0 [sflag:s8], $0x0  }
0x24: {  	s3 =	sadd.s32 $0x88, s3;
	s6 =	simm.s32 @!p1 $0x1082;
	[sflag:s4] =	ssyncset.s32 $0xFFFFF086  }
0x25: {  	[simem:s6], [sflag:s4] =	dma.local [hbm:s3], $0xF7A  }
0x26: {  	[smem:$0x3F9F] =	sst s1;
	(tag) =	ssettag s2;
	_ =	strace s9  }
0x27: {  	s1 =	sld [smem:$0x3FAF]  }
0x28: {  	s2 =	sld [smem:$0x3FB0]  }
0x29: {  	s4 =	sld [smem:$0x3FB2]  }
0x2a: {  	p0 =	seq.s32 s5, $0x0;
	s5 =	sld [smem:$0x3FB3]  }
0x2b: {  	s6 =	sld [smem:$0x3FB4]  }
0x2c: {  	s7 =	sld [smem:$0x3FB5]  }
0x2d: {  	s3 =	simm.s32 $0x108;
	s8 =	sld [smem:$0x3FB6]  }
0x2e: {  	s3 =	simm.s32 @!p0 $0x1082;
	s9 =	sld [smem:$0x3FB7]  }
0x2f: {  	lr =	sadd.s32 s0, s3;
	s0 =	sld [smem:$0x3FAE]  }
0x30: {  	s3 =	sld [smem:$0x3FB1]  }
0x31: {  	[smem:$0x3FBA] =	sst s10  }
0x32: {  	s10 =	sld [smem:$0x3FB8];
	_ =	sdelay $0x3  }
0x33: {  	p0 =	seq.s32 s10, $0x1;
	s10 =	sld [smem:$0x3FBA];
	_ =	sdelay $0x3  }
0x34: {  	[smem:$0x3FBA] =	sst s10  }
0x35: {  	s10 =	sld [smem:$0x3FB9];
	_ =	sdelay $0x3  }
0x36: {  	p1 =	seq.s32 s10, $0x1;
	s10 =	sld [smem:$0x3FBA];
	_ =	sdelay $0x3  }
0x37: {  	[smem:$0x3FBA] =	sst s10  }
0x38: {  	s10 =	sld [smem:$0x3FBB]  }
0x39: {  	_ = 	snop;
	(pc) =	sbr.ind lr, $3  }
0x3a: {  	_ = 	snop  }
0x3b: {  	_ = 	snop  }
0x3c: {  	p2 =	seq.s32 s10, $0x1;
	s10 =	sld [smem:$0x3FBA]  }
0x3d: {  	_ =	shalt  }
0x3e: {  	_ =	shalt  }
0x3f: {  	_ =	shalt  }
0x40: {  	_ =	shalt  }
0x41: {  	_ =	shalt  }
0x42: {  	_ =	shalt  }
0x43: {  	_ =	shalt  }
0x44: {  	_ =	shalt  }
0x45: {  	_ =	shalt  }
0x46: {  	_ =	shalt  }
0x47: {  	_ =	shalt  }
0x48: {  	_ =	shalt  }
0x49: {  	_ =	shalt  }
0x4a: {  	_ =	shalt  }
0x4b: {  	_ =	shalt  }
0x4c: {  	_ =	shalt  }
0x4d: {  	_ =	shalt  }
0x4e: {  	_ =	shalt  }
0x4f: {  	_ =	shalt  }
0x50: {  	_ =	shalt  }
0x51: {  	_ =	shalt  }
0x52: {  	_ =	shalt  }
0x53: {  	_ =	shalt  }
0x54: {  	_ =	shalt  }
0x55: {  	_ =	shalt  }
0x56: {  	_ =	shalt  }
0x57: {  	_ =	shalt  }
0x58: {  	_ =	shalt  }
0x59: {  	_ =	shalt  }
0x5a: {  	_ =	shalt  }
0x5b: {  	_ =	shalt  }
0x5c: {  	_ =	shalt  }
0x5d: {  	_ =	shalt  }
0x5e: {  	_ =	shalt  }
0x5f: {  	_ =	shalt  }
0x60: {  	_ =	shalt  }
0x61: {  	_ =	shalt  }
0x62: {  	_ =	shalt  }
0x63: {  	_ =	shalt  }
0x64: {  	_ =	shalt  }
0x65: {  	_ =	shalt  }
0x66: {  	_ =	shalt  }
0x67: {  	_ =	shalt  }
0x68: {  	_ =	shalt  }
0x69: {  	_ =	shalt  }
0x6a: {  	_ =	shalt  }
0x6b: {  	_ =	shalt  }
0x6c: {  	_ =	shalt  }
0x6d: {  	_ =	shalt  }
0x6e: {  	_ =	shalt  }
0x6f: {  	_ =	shalt  }
0x70: {  	_ =	shalt  }
0x71: {  	_ =	shalt  }
0x72: {  	_ =	shalt  }
0x73: {  	_ =	shalt  }
0x74: {  	_ =	shalt  }
0x75: {  	_ =	shalt  }
0x76: {  	_ =	shalt  }
0x77: {  	_ =	shalt  }
0x78: {  	_ =	shalt  }
0x79: {  	_ =	shalt  }
0x7a: {  	_ =	shalt  }
0x7b: {  	_ =	shalt  }
0x7c: {  	_ =	shalt  }
0x7d: {  	_ =	shalt  }
0x7e: {  	_ =	shalt  }
0x7f: {  	_ =	shalt  }
0x80: {  	_ =	shalt  }
0x81: {  	_ =	shalt  }
0x82: {  	_ =	shalt  }
0x83: {  	_ =	shalt  }
0x84: {  	_ =	shalt  }
0x85: {  	_ =	shalt  }
0x86: {  	_ =	shalt  }
0x87: {  	_ =	shalt  }
.Lfunc_end0:
.L_simem_size_0:
called_computation_lowered:
.L_overlay_start_0:
0x88: {  	s2 =	sld [smem:$0x3FD9]  }
0x89: {  	s3 =	sld [smem:$0x3FFE];
	_ =	sdelay $0x1  }
0x8a: {  	s1 =	srdreg.scid  }
0x8b: {  	s0 =	sand.u32 $0x1, s1  }
0x8c: {  	s17 =	sshll.u32 s0, $0xA;
	s2 =	sadd.s32 s3, s2  }
0x8d: {  	s2 =	sadd.s32 s2, s17  }
0x8e: {  	[smem:$0x3FC6] =	sst s2  }
0x8f: {  	_ = 	snop  }
0x90: {  	s2 =	sld [smem:$0x3FC8]  }
0x91: {  	s18 =	sld [smem:$0x3FD0];
	(tm) =	ssettm $0x1  }
0x92: {  	s4 =	sld [smem:$0x3FFB];
	_ =	sdelay $0x3  }
0x93: {  	_ =	strace s4  }
0x94: {  	s4 =	sld [smem:$0x3FFC];
	_ =	sdelay $0x3  }
0x95: {  	_ =	strace s4  }
0x96: {  	s4 =	sld [smem:$0x3FFD];
	_ =	sdelay $0x3  }
0x97: {  	_ =	strace s4  }
0x98: {  	_ =	strace $0x8FFFFFFF  }
0x99: {  	s19 =	sld [smem:$0x3FDB];
	_ =	sdelay $0x1  }
0x9a: {  	s5 =	simm.s32 $_scs_section_size  }
0x9b: {  	s6 =	simm.s32 $_size__tile_overlayer_lowered;
	s7 =	simm.s32 $_tile_overlayer_lowered  }
0x9c: {  	s22 =	simm.s32 $0x1BFF;
	s21 =	sshll.u32 s7, $0x1;
	s4 =	sadd.s32 s5, s19  }
0x9d: {  	s8 =	simm.s32 $0x0;
	s20 =	sshll.u32 s6, $0x1;
	s6 =	sadd.s32 s21, s4  }
0x9e: {  	[timem:s8], [sflag:s22] =	dma.local [hbm:s6], s20  }
0x9f: {  	_ =	swait.ge [sflag:s22], s20  }
0xa0: {  	s5 =	ssub.s32 $0x0, s20;
	[sflag:s22] =	ssyncset.done $0x0  }
0xa1: {  	[sflag:s22] =	ssyncadd.s32 s5;
	_ =	sdelay $0x1  }
0xa2: {  	s23 =	simm.s32 $0x1B8B  }
0xa3: {  	_ =	swait.ge [sflag:s23], $0x1  }
0xa4: {  	[sflag:s23] =	ssyncset.done $0x0  }
0xa5: {  	s25 =	simm.s32 $0x1B8E;
	s24 =	sld [smem:$0x3FFE];
	[sflag:s23] =	ssyncadd.s32 $0xFFFFFFFF  }
0xa6: {  	s26 =	simm.s32 $execute0_lowered;
	[smem:$0x3FD2] =	sst s25  }
0xa7: {  	s6 =	sshll.u32 s26, $0x1;
	_ =	strace $0x80000046;
	[dreg:$0x1] =	wrdreg $0xFFFFFFFF  }
0xa8: {  	s28 =	simm.s32 $_size_execute0_lowered;
	s4 =	sadd.s32 s4, s6;
	[dreg:$0x0] =	wrdreg $0x0  }
0xa9: {  	s6 =	sshll.u32 s28, $0x1;
	[dreg:$0x2] =	wrdreg s4  }
0xaa: {  	[dreg:$0x3] =	wrdreg s6  }
0xab: {  	[dreg:$0x4] =	wrdreg $0xC0  }
0xac: {  	_ =	task [dreg:s8], $0x5FFFF  }
0xad: {  	[dreg:$0x1] =	wrdreg $0xFFFFFFFF  }
0xae: {  	[dreg:$0x0] =	wrdreg $0x60  }
0xaf: {  	[dreg:$0x2] =	wrdreg s2  }
0xb0: {  	[dreg:$0x3] =	wrdreg s24  }
0xb1: {  	[dreg:$0x4] =	wrdreg s18  }
0xb2: {  	[dreg:$0x5] =	wrdreg $0x9  }
0xb3: {  	_ =	task.clear_ibuf [dreg:s8], $0x6FFFF;
	_ =	strace $0x90000046  }
0xb4: {  	s29 =	simm.s32 $0x9;
	_ =	strace $0x80000048  }
0xb5: {  	_ =	swait.ge [sflag:s29], $0x1  }
0xb6: {  	[sflag:s29] =	ssyncadd.s32 $0xFFFFFFFF  }
0xb7: {  	_ =	strace $0x90000048  }
0xb8: {  	_ =	sfence  }
0xb9: {  	s30 =	sld [smem:$0x0];
	_ =	sdelay $0x2  }
0xba: {  	s31 =	sshll.u32 s1, $0xD;
	s1 =	sshrl.u32 s1, $0x2  }
0xbb: {  	s3 =	sand.u32 $0x4000, s31;
	s1 =	sadd.s32 s1, s30  }
0xbc: {  	s0 =	sor.u32 s3, s0;
	s1 =	sshll.u32 s1, $0x11  }
0xbd: {  	s0 =	sor.u32 s1, s0  }
0xbe: {  	s0 =	sadd.s32 $0x8F2B, s0  }
0xbf: {  	[sflag:s0] =	ssyncadd.remote.s32 $0x1  }
0xc0: {  	_ =	sfence.sel $0xFFFF  }
0xc1: {  	[dreg:$0x0] =	wrdreg $0xFFFFFFFF;
	(pc) =	sbr.abs _section_cstart, $3  }
0xc2: {  	[dreg:$0x1] =	wrdreg $0xFFFFFFFF  }
0xc3: {  	_ =	task.clear_ibuf [dreg:s8], $0x2FFFF;
	_ =	strace $0x9FFFFFFF  }
0xc4: {  	(tm) =	ssettm $0x7FFFFFFF  }
0xc5: {  	_ =	shalt  }
tec
execute0_lowered:
.L_overlay_start_1:
0x0: {  	(tag) =	ssettag $0x1  }
0x1: {  	s0 =	srdreg.scid  }
0x2: {  	s8 =	stileid.u32;
	s1 =	rddreg [dreg:$0x0]  }
0x3: {  	s3 =	rddreg [dreg:$0x1];
	s4 =	simm.s32 $0x0;
	s12 =	simm.s32 $0x80  }
0x4: {  	s13 =	simm.s32 $0x6400;
	s14 =	simm.s32 $0xA400;
	s16 =	simm.s32 $0xE400  }
0x5: {  	s17 =	simm.s32 $0x12400;
	s18 =	simm.s32 $0x1;
	s19 =	simm.s32 $0x16400  }
0x6: {  	s20 =	simm.s32 $0x2;
	s21 =	simm.s32 $0x1A400;
	s22 =	simm.s32 $0x3  }
0x7: {  	s23 =	simm.s32 $0x7;
	s24 =	simm.s32 $0x4;
	s28 =	simm.s32 $0x6  }
0x8: {  	s30 =	simm.s32 $0xA;
	s31 =	simm.s32 $0xB;
	s5 =	smul.u32 $0x190, s8  }
0x9: {  	s0 =	sand.u32 $0x1, s0;
	s2 =	sshll.u32 s8, $0x1;
	s26 =	smul.u32 $0xC8000, s8  }
0xa: {  	[smem:$0x7FF] =	sst s4;
	s2 =	sor.u32 s0, s2;
	s6 =	smul.u32 $0xC8, s0  }
0xb: {  	_ =	strace $0x80000047;
	s25 =	ssub.s32 $0x2, s0;
	s0 =	smul.u32 $0x64000, s0  }
0xc: {  	s2 =	smul.u32 $0xC80, s2;
	s7 =	sshrl.u32 s25, $0x1;
	s5 =	sadd.s32 s6, s5  }
.Ltmp0:
0xd: {  	s9 =	sadd.s32 s0, s26;
	s26 =	simm.s32 $0x5;
	(pc) =	sbr.rel .LBB2_1-.Ltmp0, $4  }
0xe: {  	s2 =	sadd.s32 s2, s3;
	s3 =	ssub.s32 s25, s7;
	s5 =	sshll.u32 s5, $0xB  }
0xf: {  	s25 =	simm.s32 $0x8;
	s2 =	sadd.s32 $0x400, s2;
	s29 =	smax.u32 s3, $0x1  }
0x10: {  	s8 =	sor.u32 $0x1000, s5;
	s10 =	sor.u32 $0x2000, s5;
	[dreg:$0x4] =	wrdreg s2  }
0x11: {  	s3 =	simm.s32 $0x0;
	[dreg:$0x5] =	wrdreg s29;
	s2 =	simm.s32 $0xC  }
.LBB2_14:
0x12: {  	_ =	swait.ge [sflag:s23], $0x4000  }
0x13: {  	[sflag:s23] =	ssyncset.done $0x0  }
0x14: {  	[sflag:s23] =	ssyncadd.s32 $0xFFFFC000  }
0x15: {  	_ =	swait.ge [sflag:s25], $0x4000  }
0x16: {  	[sflag:s25] =	ssyncset.done $0x0  }
0x17: {  	s0 =	simm.s32 $0x9;
	[sflag:s25] =	ssyncadd.s32 $0xFFFFC000  }
0x18: {  	_ =	swait.ge [sflag:s0], $0x4000  }
0x19: {  	[sflag:s0] =	ssyncset.done $0x0  }
0x1a: {  	[sflag:s0] =	ssyncadd.s32 $0xFFFFC000  }
0x1b: {  	_ =	swait.ge [sflag:s30], $0x4000  }
0x1c: {  	[sflag:s30] =	ssyncset.done $0x0  }
0x1d: {  	[sflag:s30] =	ssyncadd.s32 $0xFFFFC000  }
0x1e: {  	_ =	swait.ge [sflag:s31], $0x4000  }
0x1f: {  	[sflag:s31] =	ssyncset.done $0x0  }
0x20: {  	[sflag:s31] =	ssyncadd.s32 $0xFFFFC000  }
0x21: {  	_ =	swait.ge [sflag:s2], $0x4000  }
0x22: {  	s3 =	rddreg [dreg:$0x6]  }
0x23: {  	s29 =	rddreg [dreg:$0x5];
	s3 =	sadd.s32 $0x1, s3  }
0x24: {  	p0 =	sne.s32 s3, s29  }
.Ltmp1:
0x25: {  	_ = 	snop;
	(pc) =	sbr.rel @!p0 .LBB2_15-.Ltmp1, $3  }
0x26: {  	_ =	sdelay $0x1  }
0x27: {  	[sflag:s2] =	ssyncset.done $0x0  }
0x28: {  	[sflag:s2] =	ssyncadd.s32 $0xFFFFC000  }
.LBB2_1:
0x29: {  	[dreg:$0x6] =	wrdreg s3  }
0x2a: {  	s0 =	rddreg [dreg:$0x4];
	s15 =	simm.s32 $0xD  }
0x2b: {  	[tilespmem:s4], [sflag:$0xD] =	stream.linear.gather [hbm4b:s0+s4], $0x6400, $0x38;
	[tilespmem:$0x1E400] =	vst v63  }
0x2c: {  	_ =	swait.ge [sflag:s15], $0x6400  }
0x2d: {  	[sflag:s15] =	ssyncset.done $0x0  }
0x2e: {  	[sflag:s15] =	ssyncadd.s32 $0xFFFF9C00  }
0x2f: {  	[tilespmem:s13], [sflag:$0x1] =	stream.indirect.gather [hbm4b:s1+s12], $0x80, s4, s12, $0xb8;
	[tilespmem:$0x1E400] =	vst v63  }
.Ltmp2:
0x30: {  	_ = 	snop;
	(pc) =	sbr.rel .LBB2_2-.Ltmp2, $4  }
0x31: {  	s29 =	simm.s32 $0x100  }
0x32: {  	[tilespmem:s14], [sflag:$0x2] =	stream.indirect.gather [hbm4b:s1+s12], $0x80, s12, s12, $0xb8;
	[tilespmem:$0x1E400] =	vst v63  }
0x33: {  	s6 =	simm.s32 $0x0;
	s15 =	simm.s32 $0x0;
	s3 =	rddreg [dreg:$0x2]  }
0x34: {  	[tilespmem:s16], [sflag:$0x3] =	stream.indirect.gather [hbm4b:s1+s12], $0x80, s29, s12, $0xb8;
	[tilespmem:$0x1E400] =	vst v63  }
.LBB2_13:
0x35: {  	s11 =	sshra.s32 s15, $0x2  }
0x36: {  	s29 =	sadd.s32 $0x280, s11  }
0x37: {  	[tilespmem:s21], [sflag:$0x6] =	stream.indirect.gather [hbm4b:s1+s12], $0x80, s29, s12, $0xb8;
	[tilespmem:$0x1E400] =	vst v63  }
0x38: {  	_ =	swait.ge [sflag:s22], $0x4000  }
0x39: {  	[sflag:s22] =	ssyncset.done $0x0  }
0x3a: {  	s0 =	sadd.s32 s3, s8;
	[sflag:s22] =	ssyncadd.s32 $0xFFFFC000  }
0x3b: {  	[hbm4b:s0+s4] =	stream.linear.scatter [tilespmem:s16], [sflag:$0x9], $0x4000, $0x38;
	[tilespmem:$0x1E400] =	vst v63  }
0x3c: {  	_ =	swait.ge [sflag:s23], $0x4000  }
0x3d: {  	[sflag:s23] =	ssyncset.done $0x0  }
0x3e: {  	s0 =	sadd.s32 $0x300, s11;
	[sflag:s23] =	ssyncadd.s32 $0xFFFFC000  }
0x3f: {  	[tilespmem:s13], [sflag:$0x1] =	stream.indirect.gather [hbm4b:s1+s12], $0x80, s0, s12, $0xb8;
	[tilespmem:$0x1E400] =	vst v63  }
0x40: {  	_ =	swait.ge [sflag:s24], $0x4000  }
0x41: {  	[sflag:s24] =	ssyncset.done $0x0  }
0x42: {  	s0 =	sadd.s32 $0x1800, s7;
	[sflag:s24] =	ssyncadd.s32 $0xFFFFC000  }
0x43: {  	[hbm4b:s0+s4] =	stream.linear.scatter [tilespmem:s17], [sflag:$0xA], $0x4000, $0x38;
	[tilespmem:$0x1E400] =	vst v63  }
0x44: {  	_ =	swait.ge [sflag:s25], $0x4000  }
0x45: {  	[sflag:s25] =	ssyncset.done $0x0  }
0x46: {  	s11 =	sadd.s32 $0x380, s11;
	[sflag:s25] =	ssyncadd.s32 $0xFFFFC000  }
0x47: {  	[tilespmem:s14], [sflag:$0x2] =	stream.indirect.gather [hbm4b:s1+s12], $0x80, s11, s12, $0xb8;
	[tilespmem:$0x1E400] =	vst v63  }
0x48: {  	_ =	swait.ge [sflag:s26], $0x4000  }
0x49: {  	p0 =	sgt.u32 s6, $0x1F;
	[sflag:s26] =	ssyncset.done $0x0  }
0x4a: {  	s0 =	sadd.s32 s3, s10;
	s11 =	simm.s32 @!p0 $0x9;
	[sflag:s26] =	ssyncadd.s32 $0xFFFFC000  }
0x4b: {  	[hbm4b:s0+s4] =	stream.linear.scatter [tilespmem:s19], [sflag:$0xB], $0x4000, $0x38;
	[tilespmem:$0x1E400] =	vst v63  }
0x4c: {  	_ =	swait.ge @!p0 [sflag:s11], $0x4000  }
0x4d: {  	[sflag:s11] =	ssyncset.done @!p0 $0x0  }
0x4e: {  	s29 =	simm.s32 @!p0 $0x80;
	[sflag:s11] =	ssyncadd.s32 @!p0 $0xFFFFC000;
	s11 =	sshra.s32 @!p0 s15, $0x2  }
0x4f: {  	s0 =	simm.s32 @!p0 $0xE400;
	s15 =	sadd.s32 $0xC00, s15;
	s11 =	sadd.s32 @!p0 $0x400, s11  }
0x50: {  	[tilespmem:s0], [sflag:$0x3] =	stream.indirect.gather @!p0 [hbm4b:s1+s29], $0x80, s11, s29, $0xb8;
	[tilespmem:$0x1E400] =	vst v63  }
0x51: {  	p0 =	sne.s32 s15, $0x19800  }
.Ltmp3:
0x52: {  	_ = 	snop;
	(pc) =	sbr.rel @!p0 .LBB2_14-.Ltmp3, $4  }
0x53: {  	_ =	swait.ge [sflag:s28], $0x4000  }
0x54: {  	s6 =	sadd.s32 $0x1, s6;
	[sflag:s28] =	ssyncset.done $0x0  }
0x55: {  	s3 =	sadd.s32 $0x3000, s3;
	s29 =	sadd.s32 $0x2800, s7;
	[sflag:s28] =	ssyncadd.s32 $0xFFFFC000  }
0x56: {  	[hbm4b:s29+s4] =	stream.linear.scatter [tilespmem:s21], [sflag:$0xC], $0x4000, $0x38;
	[tilespmem:$0x1E400] =	vst v63  }
.LBB2_2:
0x57: {  	p0 =	seq.s32 s15, $0x0  }
.Ltmp4:
0x58: {  	_ = 	snop;
	(pc) =	sbr.rel @p0 .LBB2_5-.Ltmp4, $1  }
0x59: {  	_ =	sdelay $0x3  }
0x5a: {  	p1 =	seq.s32 s15, $0x18C00  }
.Ltmp5:
0x5b: {  	_ = 	snop;
	(pc) =	sbr.rel @p1 .LBB2_6-.Ltmp5, $1  }
0x5c: {  	_ =	sdelay $0x3  }
0x5d: {  	_ =	swait.ge [sflag:s30], $0x4000  }
0x5e: {  	[sflag:s30] =	ssyncset.done $0x0  }
0x5f: {  	[sflag:s30] =	ssyncadd.s32 $0xFFFFC000  }
.LBB2_5:
0x60: {  	s7 =	sshra.s32 s15, $0x2  }
0x61: {  	s7 =	sadd.s32 $0x180, s7  }
0x62: {  	[tilespmem:s17], [sflag:$0x4] =	stream.indirect.gather [hbm4b:s1+s12], $0x80, s7, s12, $0xb8;
	[tilespmem:$0x1E400] =	vst v63  }
.LBB2_6:
.Ltmp6:
0x63: {  	(pc) =	sbr.rel @p0 .LBB2_9-.Ltmp6, $4  }
0x64: {  	_ =	swait.ge [sflag:s18], $0x4000  }
0x65: {  	[sflag:s18] =	ssyncset.done $0x0  }
0x66: {  	s7 =	sadd.s32 s3, s9;
	[sflag:s18] =	ssyncadd.s32 $0xFFFFC000  }
0x67: {  	[hbm4b:s7+s4] =	stream.linear.scatter [tilespmem:s13], [sflag:$0x7], $0x4000, $0x38;
	[tilespmem:$0x1E400] =	vst v63  }
0x68: {  	p1 =	seq.s32 s15, $0x18C00  }
.Ltmp7:
0x69: {  	_ = 	snop;
	(pc) =	sbr.rel @p1 .LBB2_10-.Ltmp7, $1  }
0x6a: {  	_ =	sdelay $0x3  }
0x6b: {  	_ =	swait.ge [sflag:s31], $0x4000  }
0x6c: {  	[sflag:s31] =	ssyncset.done $0x0  }
0x6d: {  	[sflag:s31] =	ssyncadd.s32 $0xFFFFC000  }
.LBB2_9:
0x6e: {  	s7 =	sshra.s32 s15, $0x2  }
0x6f: {  	s7 =	sadd.s32 $0x200, s7  }
0x70: {  	[tilespmem:s19], [sflag:$0x5] =	stream.indirect.gather [hbm4b:s1+s12], $0x80, s7, s12, $0xb8;
	[tilespmem:$0x1E400] =	vst v63  }
.LBB2_10:
.Ltmp8:
0x71: {  	(pc) =	sbr.rel @p0 .LBB2_13-.Ltmp8, $4  }
0x72: {  	_ =	swait.ge [sflag:s20], $0x4000  }
0x73: {  	s7 =	sadd.s32 s3, s5;
	[sflag:s20] =	ssyncset.done $0x0  }
0x74: {  	s11 =	sadd.s32 $0x800, s7;
	[sflag:s20] =	ssyncadd.s32 $0xFFFFC000  }
0x75: {  	[hbm4b:s11+s4] =	stream.linear.scatter [tilespmem:s14], [sflag:$0x8], $0x4000, $0x38;
	[tilespmem:$0x1E400] =	vst v63  }
0x76: {  	p0 =	seq.s32 s15, $0x18C00  }
.Ltmp9:
0x77: {  	_ = 	snop;
	(pc) =	sbr.rel @p0 .LBB2_14-.Ltmp9, $1  }
0x78: {  	_ =	sdelay $0x3  }
.Ltmp10:
0x79: {  	(pc) =	sbr.rel .LBB2_13-.Ltmp10, $4  }
0x7a: {  	_ = 	snop  }
0x7b: {  	_ =	swait.ge [sflag:s2], $0x4000  }
0x7c: {  	[sflag:s2] =	ssyncset.done $0x0  }
0x7d: {  	[sflag:s2] =	ssyncadd.s32 $0xFFFFC000  }
.LBB2_15:
0x7e: {  	_ =	sfence.sel $0x180000  }
0x7f: {  	[bflag:$0x0] =	sbarrier.arrive $0xFFFF  }
0x80: {  	_ =	strace $0x90000047  }
0x81: {  	s0 =	stileid.u32;
	[bflag:$0x2] =	sbarrier.arrive $0xFFFF  }
0x82: {  	p0 =	sne.s32 s0, $0x0;
	s0 =	rddreg [dreg:$0x3]  }
0x83: {  	s0 =	sadd.s32 @!p0 $0x100000, s0  }
0x84: {  	[sflag:s0] =	ssyncadd.tile.s32 @!p0 $0x1;
	_ =	shalt  }
.Lfunc_end2:
_tile_overlayer_lowered:
.L_overlay_start_2:
0x85: {  	(tag) =	ssettag $0x2  }
0x86: {  	s0 =	rddreg [dreg:$0x0];
	s2 =	stileid.u32  }
0x87: {  	s1 =	rddreg [dreg:$0x1];
	p0 =	sne.s32 s2, $0x0  }
0x88: {  	s3 =	rddreg [dreg:$0x2];
	[bflag:$0x3] =	sbarrier.arrive $0xFFFF;
	s2 =	simm.s32 @!p0 $0x1C0D  }
0x89: {  	[timem:s3], [sflag:s2] =	dma.local @!p0 [hbm:s0], s1  }
0x8a: {  	s0 =	simm.s32 @!p0 $0xD  }
0x8b: {  	_ =	swait.ge @!p0 [sflag:s0], s1  }
0x8c: {  	s1 =	ssub.s32 @!p0 $0x0, s1;
	[sflag:s0] =	ssyncset.done @!p0 $0x0  }
0x8d: {  	[sflag:s0] =	ssyncadd.s32 @!p0 s1  }
0x8e: {  	[bflag:$0x3] =	sbarrier.arrive $0xFFFF  }
0x8f: {  	_ =	shalt  }

</sc_bundles>
